<compile_context>
chip_gen: v7x
topology: tpu7x:2x2x1
jax: 0.10.2.dev20260603
libtpu: 0.0.44.dev20260713+nightly
codegen_flags: <defaults>
</compile_context>

<pallas_src>
import functools

import jax
import jax.numpy as jnp
from jax import lax
from jax.experimental import pallas as pl
from jax.experimental.pallas import tpu as pltpu
from jax.experimental.pallas import tpu_sc as plsc

_LBW = 0.01
_KT = 256
_D_SC = 512
_SC_COLS = 128
_SC_CHUNK = 256
_NC, _NS = 2, 16


def _sc_colsums_tail(x):
    B, S, D = x.shape
    d_base = D - _D_SC
    ngcol = _D_SC // _SC_COLS
    ngrp = _SC_COLS // 16
    nsplit = (_NC * _NS) // ngcol
    rows = S // nsplit
    nch = rows // _SC_CHUNK
    total = B * nch
    mesh = plsc.VectorSubcoreMesh(core_axis_name="c", subcore_axis_name="s")

    @functools.partial(
        pl.kernel, mesh=mesh,
        out_type=jax.ShapeDtypeStruct((nsplit, B, _D_SC), jnp.float32),
        scratch_types=[
            pltpu.VMEM((_SC_CHUNK, _SC_COLS), jnp.float32),
            pltpu.VMEM((_SC_CHUNK, _SC_COLS), jnp.float32),
            pltpu.VMEM((B, _SC_COLS), jnp.float32),
            pltpu.SemaphoreType.DMA,
            pltpu.SemaphoreType.DMA,
        ],
    )
    def colsums(x_hbm, out_hbm, buf0, buf1, accv, sem0, sem1):
        wid = lax.axis_index("s") * _NC + lax.axis_index("c")
        g = wid % ngcol
        p = wid // ngcol
        d0 = d_base + g * _SC_COLS
        s_base = p * rows
        bufs = (buf0, buf1)
        sems = (sem0, sem1)

        def srcslice(t):
            b, c = divmod(t, nch)
            return x_hbm.at[b, pl.ds(s_base + c * _SC_CHUNK, _SC_CHUNK),
                            pl.ds(d0, _SC_COLS)]

        copies = [pltpu.async_copy(srcslice(0), bufs[0], sems[0]), None]
        acc = None
        for t in range(total):
            b, c = divmod(t, nch)
            if t + 1 < total:
                copies[(t + 1) % 2] = pltpu.async_copy(
                    srcslice(t + 1), bufs[(t + 1) % 2], sems[(t + 1) % 2])
            copies[t % 2].wait()
            buf = bufs[t % 2]
            if c == 0:
                acc = tuple(jnp.zeros((16,), jnp.float32)
                            for _ in range(ngrp))

            def body(i, carry, buf=buf):
                accs = list(carry)
                for gg in range(ngrp):
                    accs[gg] = accs[gg] + buf[i, pl.ds(gg * 16, 16)]
                return tuple(accs)

            acc = lax.fori_loop(0, _SC_CHUNK, body, acc)
            if c == nch - 1:
                for gg in range(ngrp):
                    accv[b, pl.ds(gg * 16, 16)] = acc[gg]
        pltpu.sync_copy(accv,
                        out_hbm.at[p, pl.ds(0, B), pl.ds(g * _SC_COLS,
                                                         _SC_COLS)])

    return colsums(x)


def _tc_head_kernel(x_ref, w1_ref, acc_ref, *, s):
    k = pl.program_id(0)
    r = jnp.sum(x_ref[...], axis=1) * (1.0 / s)
    part = jnp.dot(r, w1_ref[...], preferred_element_type=jnp.float32)

    @pl.when(k == 0)
    def _first():
        acc_ref[...] = part

    @pl.when(k != 0)
    def _rest():
        acc_ref[...] += part


def _tc_head(x, W1, s):
    B, S, D = x.shape
    nk = (D - _D_SC) // _KT
    kfn = functools.partial(_tc_head_kernel, s=s)
    return pl.pallas_call(
        kfn,
        grid=(nk,),
        in_specs=[
            pl.BlockSpec((B, S, _KT), lambda k: (0, 0, k)),
            pl.BlockSpec((_KT, D), lambda k: (k, 0)),
        ],
        out_specs=pl.BlockSpec((B, D), lambda k: (0, 0)),
        out_shape=jax.ShapeDtypeStruct((B, D), jnp.float32),
        compiler_params=pltpu.CompilerParams(
            dimension_semantics=("arbitrary",),
        ),
    )(x, W1)


def _tc_merge_kernel(acc_head_ref, sums_ref, w1_ref, b1_ref, w2_ref, b2_ref,
                     wts_ref, idx_ref, loss_ref, acc_ref,
                     *, nk, s, e, topk, nsplit):
    j = pl.program_id(0)

    @pl.when(j == 0)
    def _init():
        acc_ref[...] = acc_head_ref[...]

    r = sums_ref[0]
    for p in range(1, nsplit):
        r = r + sums_ref[p]
    r = r * (1.0 / s)
    acc_ref[...] += jnp.dot(r, w1_ref[...],
                            preferred_element_type=jnp.float32)

    @pl.when(j == nk - 1)
    def _epilogue():
        h = acc_ref[...] + b1_ref[...]
        h = h * jax.nn.sigmoid(h)
        logits = jnp.dot(h, w2_ref[...],
                         preferred_element_type=jnp.float32) + b2_ref[...]
        b = logits.shape[0]
        iota_e = jax.lax.broadcasted_iota(jnp.int32, (b, e), 1)
        m1 = jnp.max(logits, axis=-1)
        i1 = jnp.argmax(logits, axis=-1).astype(jnp.int32)
        masked = jnp.where(iota_e == i1[:, None], -jnp.inf, logits)
        m2 = jnp.max(masked, axis=-1)
        i2 = jnp.argmax(masked, axis=-1).astype(jnp.int32)
        e2 = jnp.exp(m2 - m1)
        denom = 1.0 + e2
        w_first = 1.0 / denom
        w_second = e2 / denom
        iota2 = jax.lax.broadcasted_iota(jnp.int32, (b, topk), 1)
        wts_ref[...] = jnp.where(iota2 == 0, w_first[:, None], w_second[:, None])
        idx_ref[...] = jnp.where(iota2 == 0, i1[:, None], i2[:, None])
        probs = jax.nn.softmax(logits, axis=-1)
        mean_prob = jnp.mean(probs, axis=0)
        onehot = ((iota_e == i1[:, None]).astype(jnp.float32)
                  + (iota_e == i2[:, None]).astype(jnp.float32))
        usage = jnp.sum(onehot, axis=0)
        mean_usage = usage / (b * topk)
        loss = _LBW * e * jnp.sum(mean_prob * mean_usage)
        loss_ref[...] = loss[None, None]


def _tc_merge(acc_head, sums, W1, b1, W2, b2, s):
    nsplit, B, _ = sums.shape
    D = W1.shape[0]
    E = W2.shape[1]
    TOPK = 2
    nk = _D_SC // _KT
    nk_head = (D - _D_SC) // _KT
    kfn = functools.partial(_tc_merge_kernel, nk=nk, s=s, e=E, topk=TOPK,
                            nsplit=nsplit)
    wts, idx, loss = pl.pallas_call(
        kfn,
        grid=(nk,),
        in_specs=[
            pl.BlockSpec((B, D), lambda j: (0, 0)),
            pl.BlockSpec((nsplit, B, _KT), lambda j: (0, 0, j)),
            pl.BlockSpec((_KT, D), lambda j: (j + nk_head, 0)),
            pl.BlockSpec((1, D), lambda j: (0, 0)),
            pl.BlockSpec((D, E), lambda j: (0, 0)),
            pl.BlockSpec((1, E), lambda j: (0, 0)),
        ],
        out_specs=[
            pl.BlockSpec((B, TOPK), lambda j: (0, 0)),
            pl.BlockSpec((B, TOPK), lambda j: (0, 0)),
            pl.BlockSpec((1, 1), lambda j: (0, 0)),
        ],
        out_shape=[
            jax.ShapeDtypeStruct((B, TOPK), jnp.float32),
            jax.ShapeDtypeStruct((B, TOPK), jnp.int32),
            jax.ShapeDtypeStruct((1, 1), jnp.float32),
        ],
        scratch_shapes=[pltpu.VMEM((B, D), jnp.float32)],
        compiler_params=pltpu.CompilerParams(
            dimension_semantics=("arbitrary",),
        ),
    )(acc_head, sums, W1, b1.reshape(1, D), W2, b2.reshape(1, E))
    return wts, idx, loss.reshape(())


def kernel(x, W1, b1, W2, b2):
    B, S, D = x.shape
    sums_tail = _sc_colsums_tail(x)
    acc_head = _tc_head(x, W1, S)
    return _tc_merge(acc_head, sums_tail, W1, b1, W2, b2, S)

# --- scband reference (transcript-rebuilt; emitter-appended) ---
"""Pipeline reference for scband-load-balanced-gate-3186865733686 (READ-ONLY COPY).

The authoritative reference and input builder live on the scoring server;
editing this copy changes nothing except your own understanding.
"""

import jax, jax.numpy as jnp
import numpy as np

NUM_EXPERTS = 16
TOP_K = 2
LOAD_BALANCE_WEIGHT = 0.01
B, S, D = 4, 2048, 2048


def setup_inputs(seed: int = 0) -> dict:
    key = jax.random.key(seed)
    k1, k2, k3 = jax.random.split(key, 3)
    x = jax.random.normal(k1, (B, S, D), dtype=jnp.float32)
    # gate_hidden Dense(D): kernel [D, D], bias [D]
    W1 = jax.random.normal(k2, (D, D), dtype=jnp.float32) * 0.02
    b1 = jnp.zeros((D,), dtype=jnp.float32)
    # gate_output Dense(num_experts): kernel [D, E], bias [E]
    W2 = jax.random.normal(k3, (D, NUM_EXPERTS), dtype=jnp.float32) * 0.02
    b2 = jnp.zeros((NUM_EXPERTS,), dtype=jnp.float32)
    return {"x": x, "W1": W1, "b1": b1, "W2": W2, "b2": b2}


def _compute_load_balance_loss(gate_logits, expert_indices, num_experts, top_k):
    batch_size = gate_logits.shape[0]
    gate_probs = jax.nn.softmax(gate_logits, axis=-1)
    mean_gate_prob = jnp.mean(gate_probs, axis=0)
    # original loops over experts counting (expert_indices == expert_id);
    # equivalent scatter-add histogram over flattened indices
    flat_idx = expert_indices.reshape(-1)
    expert_usage = jnp.zeros((num_experts,), dtype=jnp.float32).at[flat_idx].add(1.0)
    mean_expert_usage = expert_usage / (batch_size * top_k)
    load_loss = num_experts * jnp.sum(mean_gate_prob * mean_expert_usage)
    return load_loss


def reference(x, W1, b1, W2, b2):
    # routing input: mean over sequence
    routing_input = jnp.mean(x, axis=1)  # [B, D]
    gate_hidden = routing_input @ W1 + b1
    gate_hidden = jax.nn.silu(gate_hidden)
    logits = gate_hidden @ W2 + b2  # [B, E]
    top_k_logits, top_k_indices = jax.lax.top_k(logits, TOP_K)
    top_k_weights = jax.nn.softmax(top_k_logits, axis=-1)
    load_loss = _compute_load_balance_loss(logits, top_k_indices, NUM_EXPERTS, TOP_K)
    weighted_load_loss = LOAD_BALANCE_WEIGHT * load_loss
    return (top_k_weights, top_k_indices, weighted_load_loss)

if __name__ == "__main__":
    import jax
    _d = setup_inputs()
    print(jax.jit(kernel)(*tuple(_d.values())))

</pallas_src>

<mosaic_0001>
#map = affine_map<(d0, d1) -> (0, 0, 0)>
module attributes {stable_mosaic.version = 14 : i64} {
  func.func @colsums(%arg0: i32, %arg1: i32, %arg2: memref<4x2048x2048xf32, #tpu.memory_space<hbm>>, %arg3: memref<8x4x512xf32, #tpu.memory_space<hbm>>, %arg4: memref<256x128xf32, #tpu.memory_space<vmem>>, %arg5: memref<256x128xf32, #tpu.memory_space<vmem>>, %arg6: memref<4x128xf32, #tpu.memory_space<vmem>>, %arg7: memref<!tpu.dma_semaphore, #tpu.memory_space<semaphore_mem>>, %arg8: memref<!tpu.dma_semaphore, #tpu.memory_space<semaphore_mem>>) attributes {dimension_semantics = [#tpu.dimension_semantics<core_parallel>, #tpu.dimension_semantics<subcore_parallel>], iteration_bounds = array<i64: 2, 16>, scalar_prefetch = 0 : i64, scratch_operands = 5 : i64, tpu.core_type = #tpu.core_type<sc_vector_subcore>, window_params = [{transform_indices = #map}, {transform_indices = #map}]} {
    %mul3A = arith.constant 2 : i32
    %mul3A_0 = arith.muli %arg1, %mul3A : i32
    %add3A = arith.addi %mul3A_0, %arg0 : i32
    %jit3A = arith.constant 4 : i32
    %eq3A = arith.constant 0 : i32
    %eq3A_1 = arith.cmpi eq, %jit3A, %eq3A : i32
    %jit3A_2 = arith.constant 1 : i32
    %select_n3A = arith.select %eq3A_1, %jit3A_2, %jit3A : i32
    %rem3A = arith.remsi %add3A, %select_n3A : i32
    %ne3A = arith.constant 0 : i32
    %ne3A_3 = arith.cmpi ne, %rem3A, %ne3A : i32
    %lt3A = arith.constant 0 : i32
    %lt3A_4 = arith.cmpi slt, %rem3A, %lt3A : i32
    %lt3A_5 = arith.constant 0 : i32
    %lt3A_6 = arith.cmpi slt, %select_n3A, %lt3A_5 : i32
    %ne3A_7 = arith.xori %lt3A_4, %lt3A_6 : i1
    %and3A = arith.andi %ne3A_7, %ne3A_3 : i1
    %add3A_8 = arith.addi %rem3A, %select_n3A : i32
    %select_n3A_9 = arith.select %and3A, %add3A_8, %rem3A : i32
    %jit3A_10 = arith.constant 4 : i32
    %div3A = arith.divsi %add3A, %jit3A_10 : i32
    %sign3A = arith.constant 0 : i32
    %sign3A_11 = arith.cmpi sgt, %add3A, %sign3A : i32
    %sign3A_12 = arith.extui %sign3A_11 : i1 to i32
    %sign3A_13 = arith.constant 0 : i32
    %sign3A_14 = arith.cmpi slt, %add3A, %sign3A_13 : i32
    %sign3A_15 = arith.extui %sign3A_14 : i1 to i32
    %sign3A_16 = arith.subi %sign3A_12, %sign3A_15 : i32
    %sign3A_17 = arith.constant 0 : i32
    %sign3A_18 = arith.cmpi sgt, %jit3A_10, %sign3A_17 : i32
    %sign3A_19 = arith.extui %sign3A_18 : i1 to i32
    %sign3A_20 = arith.constant 0 : i32
    %sign3A_21 = arith.cmpi slt, %jit3A_10, %sign3A_20 : i32
    %sign3A_22 = arith.extui %sign3A_21 : i1 to i32
    %sign3A_23 = arith.subi %sign3A_19, %sign3A_22 : i32
    %ne3A_24 = arith.cmpi ne, %sign3A_16, %sign3A_23 : i32
    %rem3A_25 = arith.remsi %add3A, %jit3A_10 : i32
    %ne3A_26 = arith.constant 0 : i32
    %ne3A_27 = arith.cmpi ne, %rem3A_25, %ne3A_26 : i32
    %and3A_28 = arith.andi %ne3A_24, %ne3A_27 : i1
    %sub3A = arith.constant 1 : i32
    %sub3A_29 = arith.subi %div3A, %sub3A : i32
    %select_n3A_30 = arith.select %and3A_28, %sub3A_29, %div3A : i32
    %mul3A_31 = arith.constant 128 : i32
    %mul3A_32 = arith.muli %select_n3A_9, %mul3A_31 : i32
    %add3A_33 = arith.constant 1536 : i32
    %add3A_34 = arith.addi %add3A_33, %mul3A_32 : i32
    %mul3A_35 = arith.constant 256 : i32
    %mul3A_36 = arith.muli %select_n3A_30, %mul3A_35 : i32
    %add3A_37 = arith.constant 0 : i32
    %add3A_38 = arith.addi %mul3A_36, %add3A_37 : i32
    %dma_start3A = arith.constant 0 : i32
    %dma_start3A_39 = tpu.memref_slice %arg2[%dma_start3A, %add3A_38, %add3A_34] : memref<4x2048x2048xf32, #tpu.memory_space<hbm>> -> memref<1x256x128xf32, #tpu.memory_space<hbm>>
    %dma_start3A_40 = tpu.memref_squeeze %dma_start3A_39 : memref<1x256x128xf32, #tpu.memory_space<hbm>> -> memref<256x128xf32, #tpu.memory_space<hbm>>
    %dma_start3A_41 = tpu.memref_slice %arg2[%dma_start3A, %add3A_38, %add3A_34] : memref<4x2048x2048xf32, #tpu.memory_space<hbm>> -> memref<1x256x128xf32, #tpu.memory_space<hbm>>
    %dma_start3A_42 = tpu.memref_squeeze %dma_start3A_41 : memref<1x256x128xf32, #tpu.memory_space<hbm>> -> memref<256x128xf32, #tpu.memory_space<hbm>>
    tpu.enqueue_dma source(%dma_start3A_42 : memref<256x128xf32, #tpu.memory_space<hbm>>) target(%arg4 : memref<256x128xf32, #tpu.memory_space<vmem>>) target_semaphore(%arg7 : memref<!tpu.dma_semaphore, #tpu.memory_space<semaphore_mem>>)
    %add3A_43 = arith.constant 0 : i32
    %add3A_44 = arith.addi %mul3A_36, %add3A_43 : i32
    %dma_start3A_45 = arith.constant 1 : i32
    %dma_start3A_46 = tpu.memref_slice %arg2[%dma_start3A_45, %add3A_44, %add3A_34] : memref<4x2048x2048xf32, #tpu.memory_space<hbm>> -> memref<1x256x128xf32, #tpu.memory_space<hbm>>
    %dma_start3A_47 = tpu.memref_squeeze %dma_start3A_46 : memref<1x256x128xf32, #tpu.memory_space<hbm>> -> memref<256x128xf32, #tpu.memory_space<hbm>>
    %dma_start3A_48 = tpu.memref_slice %arg2[%dma_start3A_45, %add3A_44, %add3A_34] : memref<4x2048x2048xf32, #tpu.memory_space<hbm>> -> memref<1x256x128xf32, #tpu.memory_space<hbm>>
    %dma_start3A_49 = tpu.memref_squeeze %dma_start3A_48 : memref<1x256x128xf32, #tpu.memory_space<hbm>> -> memref<256x128xf32, #tpu.memory_space<hbm>>
    tpu.enqueue_dma source(%dma_start3A_49 : memref<256x128xf32, #tpu.memory_space<hbm>>) target(%arg5 : memref<256x128xf32, #tpu.memory_space<vmem>>) target_semaphore(%arg8 : memref<!tpu.dma_semaphore, #tpu.memory_space<semaphore_mem>>)
    %dma_wait3A = arith.constant 0 : i32
    %dma_wait3A_50 = tpu.memref_slice %arg2[%dma_wait3A, %add3A_38, %add3A_34] : memref<4x2048x2048xf32, #tpu.memory_space<hbm>> -> memref<1x256x128xf32, #tpu.memory_space<hbm>>
    %dma_wait3A_51 = tpu.memref_squeeze %dma_wait3A_50 : memref<1x256x128xf32, #tpu.memory_space<hbm>> -> memref<256x128xf32, #tpu.memory_space<hbm>>
    %dma_wait3A_52 = tpu.memref_slice %arg2[%dma_wait3A, %add3A_38, %add3A_34] : memref<4x2048x2048xf32, #tpu.memory_space<hbm>> -> memref<1x256x128xf32, #tpu.memory_space<hbm>>
    %dma_wait3A_53 = tpu.memref_squeeze %dma_wait3A_52 : memref<1x256x128xf32, #tpu.memory_space<hbm>> -> memref<256x128xf32, #tpu.memory_space<hbm>>
    tpu.wait_dma2 semaphore(%arg7 : memref<!tpu.dma_semaphore, #tpu.memory_space<semaphore_mem>>) src(%dma_wait3A_53 : memref<256x128xf32, #tpu.memory_space<hbm>>) dst(%arg4 : memref<256x128xf32, #tpu.memory_space<vmem>>)
    %broadcast_in_dim3A = arith.constant 0.000000e+00 : f32
    %broadcast_in_dim3A_54 = vector.broadcast %broadcast_in_dim3A : f32 to vector<16xf32>
    %broadcast_in_dim3A_55 = arith.constant 0.000000e+00 : f32
    %broadcast_in_dim3A_56 = vector.broadcast %broadcast_in_dim3A_55 : f32 to vector<16xf32>
    %broadcast_in_dim3A_57 = arith.constant 0.000000e+00 : f32
    %broadcast_in_dim3A_58 = vector.broadcast %broadcast_in_dim3A_57 : f32 to vector<16xf32>
    %broadcast_in_dim3A_59 = arith.constant 0.000000e+00 : f32
    %broadcast_in_dim3A_60 = vector.broadcast %broadcast_in_dim3A_59 : f32 to vector<16xf32>
    %broadcast_in_dim3A_61 = arith.constant 0.000000e+00 : f32
    %broadcast_in_dim3A_62 = vector.broadcast %broadcast_in_dim3A_61 : f32 to vector<16xf32>
    %broadcast_in_dim3A_63 = arith.constant 0.000000e+00 : f32
    %broadcast_in_dim3A_64 = vector.broadcast %broadcast_in_dim3A_63 : f32 to vector<16xf32>
    %broadcast_in_dim3A_65 = arith.constant 0.000000e+00 : f32
    %broadcast_in_dim3A_66 = vector.broadcast %broadcast_in_dim3A_65 : f32 to vector<16xf32>
    %broadcast_in_dim3A_67 = arith.constant 0.000000e+00 : f32
    %broadcast_in_dim3A_68 = vector.broadcast %broadcast_in_dim3A_67 : f32 to vector<16xf32>
    %scan3A = arith.constant 0 : i32
    %scan3A_69 = arith.constant 256 : i32
    %scan3A_70 = arith.addi %scan3A, %scan3A_69 : i32
    %scan3A_71 = arith.constant 1 : i32
    %scan3A_72:8 = scf.for %scan3A_362 = %scan3A to %scan3A_70 step %scan3A_71 iter_args(%scan3A_363 = %broadcast_in_dim3A_54, %scan3A_364 = %broadcast_in_dim3A_56, %scan3A_365 = %broadcast_in_dim3A_58, %scan3A_366 = %broadcast_in_dim3A_60, %scan3A_367 = %broadcast_in_dim3A_62, %scan3A_368 = %broadcast_in_dim3A_64, %scan3A_369 = %broadcast_in_dim3A_66, %scan3A_370 = %broadcast_in_dim3A_68) -> (vector<16xf32>, vector<16xf32>, vector<16xf32>, vector<16xf32>, vector<16xf32>, vector<16xf32>, vector<16xf32>, vector<16xf32>)  : i32 {
      %get3A = arith.index_cast %scan3A_362 : i32 to index
      %get3A_371 = arith.constant 0 : index
      %get3A_372 = tpu.vector_load %arg4[%get3A, %get3A_371] {strides = array<i32>} : memref<256x128xf32, #tpu.memory_space<vmem>>, vector<1x16xf32>,
      %get3A_373 = vector.shape_cast %get3A_372 : vector<1x16xf32> to vector<16xf32>
      %add3A_374 = arith.addf %scan3A_363, %get3A_373 : vector<16xf32>
      %get3A_375 = arith.index_cast %scan3A_362 : i32 to index
      %get3A_376 = arith.constant 16 : index
      %get3A_377 = tpu.vector_load %arg4[%get3A_375, %get3A_376] {strides = array<i32>} : memref<256x128xf32, #tpu.memory_space<vmem>>, vector<1x16xf32>,
      %get3A_378 = vector.shape_cast %get3A_377 : vector<1x16xf32> to vector<16xf32>
      %add3A_379 = arith.addf %scan3A_364, %get3A_378 : vector<16xf32>
      %get3A_380 = arith.index_cast %scan3A_362 : i32 to index
      %get3A_381 = arith.constant 32 : index
      %get3A_382 = tpu.vector_load %arg4[%get3A_380, %get3A_381] {strides = array<i32>} : memref<256x128xf32, #tpu.memory_space<vmem>>, vector<1x16xf32>,
      %get3A_383 = vector.shape_cast %get3A_382 : vector<1x16xf32> to vector<16xf32>
      %add3A_384 = arith.addf %scan3A_365, %get3A_383 : vector<16xf32>
      %get3A_385 = arith.index_cast %scan3A_362 : i32 to index
      %get3A_386 = arith.constant 48 : index
      %get3A_387 = tpu.vector_load %arg4[%get3A_385, %get3A_386] {strides = array<i32>} : memref<256x128xf32, #tpu.memory_space<vmem>>, vector<1x16xf32>,
      %get3A_388 = vector.shape_cast %get3A_387 : vector<1x16xf32> to vector<16xf32>
      %add3A_389 = arith.addf %scan3A_366, %get3A_388 : vector<16xf32>
      %get3A_390 = arith.index_cast %scan3A_362 : i32 to index
      %get3A_391 = arith.constant 64 : index
      %get3A_392 = tpu.vector_load %arg4[%get3A_390, %get3A_391] {strides = array<i32>} : memref<256x128xf32, #tpu.memory_space<vmem>>, vector<1x16xf32>,
      %get3A_393 = vector.shape_cast %get3A_392 : vector<1x16xf32> to vector<16xf32>
      %add3A_394 = arith.addf %scan3A_367, %get3A_393 : vector<16xf32>
      %get3A_395 = arith.index_cast %scan3A_362 : i32 to index
      %get3A_396 = arith.constant 80 : index
      %get3A_397 = tpu.vector_load %arg4[%get3A_395, %get3A_396] {strides = array<i32>} : memref<256x128xf32, #tpu.memory_space<vmem>>, vector<1x16xf32>,
      %get3A_398 = vector.shape_cast %get3A_397 : vector<1x16xf32> to vector<16xf32>
      %add3A_399 = arith.addf %scan3A_368, %get3A_398 : vector<16xf32>
      %get3A_400 = arith.index_cast %scan3A_362 : i32 to index
      %get3A_401 = arith.constant 96 : index
      %get3A_402 = tpu.vector_load %arg4[%get3A_400, %get3A_401] {strides = array<i32>} : memref<256x128xf32, #tpu.memory_space<vmem>>, vector<1x16xf32>,
      %get3A_403 = vector.shape_cast %get3A_402 : vector<1x16xf32> to vector<16xf32>
      %add3A_404 = arith.addf %scan3A_369, %get3A_403 : vector<16xf32>
      %get3A_405 = arith.index_cast %scan3A_362 : i32 to index
      %get3A_406 = arith.constant 112 : index
      %get3A_407 = tpu.vector_load %arg4[%get3A_405, %get3A_406] {strides = array<i32>} : memref<256x128xf32, #tpu.memory_space<vmem>>, vector<1x16xf32>,
      %get3A_408 = vector.shape_cast %get3A_407 : vector<1x16xf32> to vector<16xf32>
      %add3A_409 = arith.addf %scan3A_370, %get3A_408 : vector<16xf32>
      scf.yield %add3A_374, %add3A_379, %add3A_384, %add3A_389, %add3A_394, %add3A_399, %add3A_404, %add3A_409 : vector<16xf32>, vector<16xf32>, vector<16xf32>, vector<16xf32>, vector<16xf32>, vector<16xf32>, vector<16xf32>, vector<16xf32>
    }
    %scan3A_73 = arith.constant 256 : i32
    %swap3A = arith.constant 0 : i32
    %swap3A_74 = arith.index_cast %swap3A : i32 to index
    %swap3A_75 = arith.constant 0 : index
    %swap3A_76 = tpu.vector_load %arg6[%swap3A_74, %swap3A_75] {strides = array<i32>} : memref<4x128xf32, #tpu.memory_space<vmem>>, vector<1x16xf32>,
    %swap3A_77 = vector.shape_cast %swap3A_76 : vector<1x16xf32> to vector<16xf32>
    %swap3A_78 = vector.shape_cast %scan3A_72#0 : vector<16xf32> to vector<1x16xf32>
    tpu.vector_store %arg6[%swap3A_74, %swap3A_75], %swap3A_78 {strides = array<i32>} : memref<4x128xf32, #tpu.memory_space<vmem>>, vector<1x16xf32>,
    %swap3A_79 = arith.constant 0 : i32
    %swap3A_80 = arith.index_cast %swap3A_79 : i32 to index
    %swap3A_81 = arith.constant 16 : index
    %swap3A_82 = tpu.vector_load %arg6[%swap3A_80, %swap3A_81] {strides = array<i32>} : memref<4x128xf32, #tpu.memory_space<vmem>>, vector<1x16xf32>,
    %swap3A_83 = vector.shape_cast %swap3A_82 : vector<1x16xf32> to vector<16xf32>
    %swap3A_84 = vector.shape_cast %scan3A_72#1 : vector<16xf32> to vector<1x16xf32>
    tpu.vector_store %arg6[%swap3A_80, %swap3A_81], %swap3A_84 {strides = array<i32>} : memref<4x128xf32, #tpu.memory_space<vmem>>, vector<1x16xf32>,
    %swap3A_85 = arith.constant 0 : i32
    %swap3A_86 = arith.index_cast %swap3A_85 : i32 to index
    %swap3A_87 = arith.constant 32 : index
    %swap3A_88 = tpu.vector_load %arg6[%swap3A_86, %swap3A_87] {strides = array<i32>} : memref<4x128xf32, #tpu.memory_space<vmem>>, vector<1x16xf32>,
    %swap3A_89 = vector.shape_cast %swap3A_88 : vector<1x16xf32> to vector<16xf32>
    %swap3A_90 = vector.shape_cast %scan3A_72#2 : vector<16xf32> to vector<1x16xf32>
    tpu.vector_store %arg6[%swap3A_86, %swap3A_87], %swap3A_90 {strides = array<i32>} : memref<4x128xf32, #tpu.memory_space<vmem>>, vector<1x16xf32>,
    %swap3A_91 = arith.constant 0 : i32
    %swap3A_92 = arith.index_cast %swap3A_91 : i32 to index
    %swap3A_93 = arith.constant 48 : index
    %swap3A_94 = tpu.vector_load %arg6[%swap3A_92, %swap3A_93] {strides = array<i32>} : memref<4x128xf32, #tpu.memory_space<vmem>>, vector<1x16xf32>,
    %swap3A_95 = vector.shape_cast %swap3A_94 : vector<1x16xf32> to vector<16xf32>
    %swap3A_96 = vector.shape_cast %scan3A_72#3 : vector<16xf32> to vector<1x16xf32>
    tpu.vector_store %arg6[%swap3A_92, %swap3A_93], %swap3A_96 {strides = array<i32>} : memref<4x128xf32, #tpu.memory_space<vmem>>, vector<1x16xf32>,
    %swap3A_97 = arith.constant 0 : i32
    %swap3A_98 = arith.index_cast %swap3A_97 : i32 to index
    %swap3A_99 = arith.constant 64 : index
    %swap3A_100 = tpu.vector_load %arg6[%swap3A_98, %swap3A_99] {strides = array<i32>} : memref<4x128xf32, #tpu.memory_space<vmem>>, vector<1x16xf32>,
    %swap3A_101 = vector.shape_cast %swap3A_100 : vector<1x16xf32> to vector<16xf32>
    %swap3A_102 = vector.shape_cast %scan3A_72#4 : vector<16xf32> to vector<1x16xf32>
    tpu.vector_store %arg6[%swap3A_98, %swap3A_99], %swap3A_102 {strides = array<i32>} : memref<4x128xf32, #tpu.memory_space<vmem>>, vector<1x16xf32>,
    %swap3A_103 = arith.constant 0 : i32
    %swap3A_104 = arith.index_cast %swap3A_103 : i32 to index
    %swap3A_105 = arith.constant 80 : index
    %swap3A_106 = tpu.vector_load %arg6[%swap3A_104, %swap3A_105] {strides = array<i32>} : memref<4x128xf32, #tpu.memory_space<vmem>>, vector<1x16xf32>,
    %swap3A_107 = vector.shape_cast %swap3A_106 : vector<1x16xf32> to vector<16xf32>
    %swap3A_108 = vector.shape_cast %scan3A_72#5 : vector<16xf32> to vector<1x16xf32>
    tpu.vector_store %arg6[%swap3A_104, %swap3A_105], %swap3A_108 {strides = array<i32>} : memref<4x128xf32, #tpu.memory_space<vmem>>, vector<1x16xf32>,
    %swap3A_109 = arith.constant 0 : i32
    %swap3A_110 = arith.index_cast %swap3A_109 : i32 to index
    %swap3A_111 = arith.constant 96 : index
    %swap3A_112 = tpu.vector_load %arg6[%swap3A_110, %swap3A_111] {strides = array<i32>} : memref<4x128xf32, #tpu.memory_space<vmem>>, vector<1x16xf32>,
    %swap3A_113 = vector.shape_cast %swap3A_112 : vector<1x16xf32> to vector<16xf32>
    %swap3A_114 = vector.shape_cast %scan3A_72#6 : vector<16xf32> to vector<1x16xf32>
    tpu.vector_store %arg6[%swap3A_110, %swap3A_111], %swap3A_114 {strides = array<i32>} : memref<4x128xf32, #tpu.memory_space<vmem>>, vector<1x16xf32>,
    %swap3A_115 = arith.constant 0 : i32
    %swap3A_116 = arith.index_cast %swap3A_115 : i32 to index
    %swap3A_117 = arith.constant 112 : index
    %swap3A_118 = tpu.vector_load %arg6[%swap3A_116, %swap3A_117] {strides = array<i32>} : memref<4x128xf32, #tpu.memory_space<vmem>>, vector<1x16xf32>,
    %swap3A_119 = vector.shape_cast %swap3A_118 : vector<1x16xf32> to vector<16xf32>
    %swap3A_120 = vector.shape_cast %scan3A_72#7 : vector<16xf32> to vector<1x16xf32>
    tpu.vector_store %arg6[%swap3A_116, %swap3A_117], %swap3A_120 {strides = array<i32>} : memref<4x128xf32, #tpu.memory_space<vmem>>, vector<1x16xf32>,
    %add3A_121 = arith.constant 0 : i32
    %add3A_122 = arith.addi %mul3A_36, %add3A_121 : i32
    %dma_start3A_123 = arith.constant 2 : i32
    %dma_start3A_124 = tpu.memref_slice %arg2[%dma_start3A_123, %add3A_122, %add3A_34] : memref<4x2048x2048xf32, #tpu.memory_space<hbm>> -> memref<1x256x128xf32, #tpu.memory_space<hbm>>
    %dma_start3A_125 = tpu.memref_squeeze %dma_start3A_124 : memref<1x256x128xf32, #tpu.memory_space<hbm>> -> memref<256x128xf32, #tpu.memory_space<hbm>>
    %dma_start3A_126 = tpu.memref_slice %arg2[%dma_start3A_123, %add3A_122, %add3A_34] : memref<4x2048x2048xf32, #tpu.memory_space<hbm>> -> memref<1x256x128xf32, #tpu.memory_space<hbm>>
    %dma_start3A_127 = tpu.memref_squeeze %dma_start3A_126 : memref<1x256x128xf32, #tpu.memory_space<hbm>> -> memref<256x128xf32, #tpu.memory_space<hbm>>
    tpu.enqueue_dma source(%dma_start3A_127 : memref<256x128xf32, #tpu.memory_space<hbm>>) target(%arg4 : memref<256x128xf32, #tpu.memory_space<vmem>>) target_semaphore(%arg7 : memref<!tpu.dma_semaphore, #tpu.memory_space<semaphore_mem>>)
    %dma_wait3A_128 = arith.constant 1 : i32
    %dma_wait3A_129 = tpu.memref_slice %arg2[%dma_wait3A_128, %add3A_44, %add3A_34] : memref<4x2048x2048xf32, #tpu.memory_space<hbm>> -> memref<1x256x128xf32, #tpu.memory_space<hbm>>
    %dma_wait3A_130 = tpu.memref_squeeze %dma_wait3A_129 : memref<1x256x128xf32, #tpu.memory_space<hbm>> -> memref<256x128xf32, #tpu.memory_space<hbm>>
    %dma_wait3A_131 = tpu.memref_slice %arg2[%dma_wait3A_128, %add3A_44, %add3A_34] : memref<4x2048x2048xf32, #tpu.memory_space<hbm>> -> memref<1x256x128xf32, #tpu.memory_space<hbm>>
    %dma_wait3A_132 = tpu.memref_squeeze %dma_wait3A_131 : memref<1x256x128xf32, #tpu.memory_space<hbm>> -> memref<256x128xf32, #tpu.memory_space<hbm>>
    tpu.wait_dma2 semaphore(%arg8 : memref<!tpu.dma_semaphore, #tpu.memory_space<semaphore_mem>>) src(%dma_wait3A_132 : memref<256x128xf32, #tpu.memory_space<hbm>>) dst(%arg5 : memref<256x128xf32, #tpu.memory_space<vmem>>)
    %broadcast_in_dim3A_133 = arith.constant 0.000000e+00 : f32
    %broadcast_in_dim3A_134 = vector.broadcast %broadcast_in_dim3A_133 : f32 to vector<16xf32>
    %broadcast_in_dim3A_135 = arith.constant 0.000000e+00 : f32
    %broadcast_in_dim3A_136 = vector.broadcast %broadcast_in_dim3A_135 : f32 to vector<16xf32>
    %broadcast_in_dim3A_137 = arith.constant 0.000000e+00 : f32
    %broadcast_in_dim3A_138 = vector.broadcast %broadcast_in_dim3A_137 : f32 to vector<16xf32>
    %broadcast_in_dim3A_139 = arith.constant 0.000000e+00 : f32
    %broadcast_in_dim3A_140 = vector.broadcast %broadcast_in_dim3A_139 : f32 to vector<16xf32>
    %broadcast_in_dim3A_141 = arith.constant 0.000000e+00 : f32
    %broadcast_in_dim3A_142 = vector.broadcast %broadcast_in_dim3A_141 : f32 to vector<16xf32>
    %broadcast_in_dim3A_143 = arith.constant 0.000000e+00 : f32
    %broadcast_in_dim3A_144 = vector.broadcast %broadcast_in_dim3A_143 : f32 to vector<16xf32>
    %broadcast_in_dim3A_145 = arith.constant 0.000000e+00 : f32
    %broadcast_in_dim3A_146 = vector.broadcast %broadcast_in_dim3A_145 : f32 to vector<16xf32>
    %broadcast_in_dim3A_147 = arith.constant 0.000000e+00 : f32
    %broadcast_in_dim3A_148 = vector.broadcast %broadcast_in_dim3A_147 : f32 to vector<16xf32>
    %scan3A_149 = arith.constant 0 : i32
    %scan3A_150 = arith.constant 256 : i32
    %scan3A_151 = arith.addi %scan3A_149, %scan3A_150 : i32
    %scan3A_152 = arith.constant 1 : i32
    %scan3A_153:8 = scf.for %scan3A_362 = %scan3A_149 to %scan3A_151 step %scan3A_152 iter_args(%scan3A_363 = %broadcast_in_dim3A_134, %scan3A_364 = %broadcast_in_dim3A_136, %scan3A_365 = %broadcast_in_dim3A_138, %scan3A_366 = %broadcast_in_dim3A_140, %scan3A_367 = %broadcast_in_dim3A_142, %scan3A_368 = %broadcast_in_dim3A_144, %scan3A_369 = %broadcast_in_dim3A_146, %scan3A_370 = %broadcast_in_dim3A_148) -> (vector<16xf32>, vector<16xf32>, vector<16xf32>, vector<16xf32>, vector<16xf32>, vector<16xf32>, vector<16xf32>, vector<16xf32>)  : i32 {
      %get3A = arith.index_cast %scan3A_362 : i32 to index
      %get3A_371 = arith.constant 0 : index
      %get3A_372 = tpu.vector_load %arg5[%get3A, %get3A_371] {strides = array<i32>} : memref<256x128xf32, #tpu.memory_space<vmem>>, vector<1x16xf32>,
      %get3A_373 = vector.shape_cast %get3A_372 : vector<1x16xf32> to vector<16xf32>
      %add3A_374 = arith.addf %scan3A_363, %get3A_373 : vector<16xf32>
      %get3A_375 = arith.index_cast %scan3A_362 : i32 to index
      %get3A_376 = arith.constant 16 : index
      %get3A_377 = tpu.vector_load %arg5[%get3A_375, %get3A_376] {strides = array<i32>} : memref<256x128xf32, #tpu.memory_space<vmem>>, vector<1x16xf32>,
      %get3A_378 = vector.shape_cast %get3A_377 : vector<1x16xf32> to vector<16xf32>
      %add3A_379 = arith.addf %scan3A_364, %get3A_378 : vector<16xf32>
      %get3A_380 = arith.index_cast %scan3A_362 : i32 to index
      %get3A_381 = arith.constant 32 : index
      %get3A_382 = tpu.vector_load %arg5[%get3A_380, %get3A_381] {strides = array<i32>} : memref<256x128xf32, #tpu.memory_space<vmem>>, vector<1x16xf32>,
      %get3A_383 = vector.shape_cast %get3A_382 : vector<1x16xf32> to vector<16xf32>
      %add3A_384 = arith.addf %scan3A_365, %get3A_383 : vector<16xf32>
      %get3A_385 = arith.index_cast %scan3A_362 : i32 to index
      %get3A_386 = arith.constant 48 : index
      %get3A_387 = tpu.vector_load %arg5[%get3A_385, %get3A_386] {strides = array<i32>} : memref<256x128xf32, #tpu.memory_space<vmem>>, vector<1x16xf32>,
      %get3A_388 = vector.shape_cast %get3A_387 : vector<1x16xf32> to vector<16xf32>
      %add3A_389 = arith.addf %scan3A_366, %get3A_388 : vector<16xf32>
      %get3A_390 = arith.index_cast %scan3A_362 : i32 to index
      %get3A_391 = arith.constant 64 : index
      %get3A_392 = tpu.vector_load %arg5[%get3A_390, %get3A_391] {strides = array<i32>} : memref<256x128xf32, #tpu.memory_space<vmem>>, vector<1x16xf32>,
      %get3A_393 = vector.shape_cast %get3A_392 : vector<1x16xf32> to vector<16xf32>
      %add3A_394 = arith.addf %scan3A_367, %get3A_393 : vector<16xf32>
      %get3A_395 = arith.index_cast %scan3A_362 : i32 to index
      %get3A_396 = arith.constant 80 : index
      %get3A_397 = tpu.vector_load %arg5[%get3A_395, %get3A_396] {strides = array<i32>} : memref<256x128xf32, #tpu.memory_space<vmem>>, vector<1x16xf32>,
      %get3A_398 = vector.shape_cast %get3A_397 : vector<1x16xf32> to vector<16xf32>
      %add3A_399 = arith.addf %scan3A_368, %get3A_398 : vector<16xf32>
      %get3A_400 = arith.index_cast %scan3A_362 : i32 to index
      %get3A_401 = arith.constant 96 : index
      %get3A_402 = tpu.vector_load %arg5[%get3A_400, %get3A_401] {strides = array<i32>} : memref<256x128xf32, #tpu.memory_space<vmem>>, vector<1x16xf32>,
      %get3A_403 = vector.shape_cast %get3A_402 : vector<1x16xf32> to vector<16xf32>
      %add3A_404 = arith.addf %scan3A_369, %get3A_403 : vector<16xf32>
      %get3A_405 = arith.index_cast %scan3A_362 : i32 to index
      %get3A_406 = arith.constant 112 : index
      %get3A_407 = tpu.vector_load %arg5[%get3A_405, %get3A_406] {strides = array<i32>} : memref<256x128xf32, #tpu.memory_space<vmem>>, vector<1x16xf32>,
      %get3A_408 = vector.shape_cast %get3A_407 : vector<1x16xf32> to vector<16xf32>
      %add3A_409 = arith.addf %scan3A_370, %get3A_408 : vector<16xf32>
      scf.yield %add3A_374, %add3A_379, %add3A_384, %add3A_389, %add3A_394, %add3A_399, %add3A_404, %add3A_409 : vector<16xf32>, vector<16xf32>, vector<16xf32>, vector<16xf32>, vector<16xf32>, vector<16xf32>, vector<16xf32>, vector<16xf32>
    }
    %scan3A_154 = arith.constant 256 : i32
    %swap3A_155 = arith.constant 1 : i32
    %swap3A_156 = arith.index_cast %swap3A_155 : i32 to index
    %swap3A_157 = arith.constant 0 : index
    %swap3A_158 = tpu.vector_load %arg6[%swap3A_156, %swap3A_157] {strides = array<i32>} : memref<4x128xf32, #tpu.memory_space<vmem>>, vector<1x16xf32>,
    %swap3A_159 = vector.shape_cast %swap3A_158 : vector<1x16xf32> to vector<16xf32>
    %swap3A_160 = vector.shape_cast %scan3A_153#0 : vector<16xf32> to vector<1x16xf32>
    tpu.vector_store %arg6[%swap3A_156, %swap3A_157], %swap3A_160 {strides = array<i32>} : memref<4x128xf32, #tpu.memory_space<vmem>>, vector<1x16xf32>,
    %swap3A_161 = arith.constant 1 : i32
    %swap3A_162 = arith.index_cast %swap3A_161 : i32 to index
    %swap3A_163 = arith.constant 16 : index
    %swap3A_164 = tpu.vector_load %arg6[%swap3A_162, %swap3A_163] {strides = array<i32>} : memref<4x128xf32, #tpu.memory_space<vmem>>, vector<1x16xf32>,
    %swap3A_165 = vector.shape_cast %swap3A_164 : vector<1x16xf32> to vector<16xf32>
    %swap3A_166 = vector.shape_cast %scan3A_153#1 : vector<16xf32> to vector<1x16xf32>
    tpu.vector_store %arg6[%swap3A_162, %swap3A_163], %swap3A_166 {strides = array<i32>} : memref<4x128xf32, #tpu.memory_space<vmem>>, vector<1x16xf32>,
    %swap3A_167 = arith.constant 1 : i32
    %swap3A_168 = arith.index_cast %swap3A_167 : i32 to index
    %swap3A_169 = arith.constant 32 : index
    %swap3A_170 = tpu.vector_load %arg6[%swap3A_168, %swap3A_169] {strides = array<i32>} : memref<4x128xf32, #tpu.memory_space<vmem>>, vector<1x16xf32>,
    %swap3A_171 = vector.shape_cast %swap3A_170 : vector<1x16xf32> to vector<16xf32>
    %swap3A_172 = vector.shape_cast %scan3A_153#2 : vector<16xf32> to vector<1x16xf32>
    tpu.vector_store %arg6[%swap3A_168, %swap3A_169], %swap3A_172 {strides = array<i32>} : memref<4x128xf32, #tpu.memory_space<vmem>>, vector<1x16xf32>,
    %swap3A_173 = arith.constant 1 : i32
    %swap3A_174 = arith.index_cast %swap3A_173 : i32 to index
    %swap3A_175 = arith.constant 48 : index
    %swap3A_176 = tpu.vector_load %arg6[%swap3A_174, %swap3A_175] {strides = array<i32>} : memref<4x128xf32, #tpu.memory_space<vmem>>, vector<1x16xf32>,
    %swap3A_177 = vector.shape_cast %swap3A_176 : vector<1x16xf32> to vector<16xf32>
    %swap3A_178 = vector.shape_cast %scan3A_153#3 : vector<16xf32> to vector<1x16xf32>
    tpu.vector_store %arg6[%swap3A_174, %swap3A_175], %swap3A_178 {strides = array<i32>} : memref<4x128xf32, #tpu.memory_space<vmem>>, vector<1x16xf32>,
    %swap3A_179 = arith.constant 1 : i32
    %swap3A_180 = arith.index_cast %swap3A_179 : i32 to index
    %swap3A_181 = arith.constant 64 : index
    %swap3A_182 = tpu.vector_load %arg6[%swap3A_180, %swap3A_181] {strides = array<i32>} : memref<4x128xf32, #tpu.memory_space<vmem>>, vector<1x16xf32>,
    %swap3A_183 = vector.shape_cast %swap3A_182 : vector<1x16xf32> to vector<16xf32>
    %swap3A_184 = vector.shape_cast %scan3A_153#4 : vector<16xf32> to vector<1x16xf32>
    tpu.vector_store %arg6[%swap3A_180, %swap3A_181], %swap3A_184 {strides = array<i32>} : memref<4x128xf32, #tpu.memory_space<vmem>>, vector<1x16xf32>,
    %swap3A_185 = arith.constant 1 : i32
    %swap3A_186 = arith.index_cast %swap3A_185 : i32 to index
    %swap3A_187 = arith.constant 80 : index
    %swap3A_188 = tpu.vector_load %arg6[%swap3A_186, %swap3A_187] {strides = array<i32>} : memref<4x128xf32, #tpu.memory_space<vmem>>, vector<1x16xf32>,
    %swap3A_189 = vector.shape_cast %swap3A_188 : vector<1x16xf32> to vector<16xf32>
    %swap3A_190 = vector.shape_cast %scan3A_153#5 : vector<16xf32> to vector<1x16xf32>
    tpu.vector_store %arg6[%swap3A_186, %swap3A_187], %swap3A_190 {strides = array<i32>} : memref<4x128xf32, #tpu.memory_space<vmem>>, vector<1x16xf32>,
    %swap3A_191 = arith.constant 1 : i32
    %swap3A_192 = arith.index_cast %swap3A_191 : i32 to index
    %swap3A_193 = arith.constant 96 : index
    %swap3A_194 = tpu.vector_load %arg6[%swap3A_192, %swap3A_193] {strides = array<i32>} : memref<4x128xf32, #tpu.memory_space<vmem>>, vector<1x16xf32>,
    %swap3A_195 = vector.shape_cast %swap3A_194 : vector<1x16xf32> to vector<16xf32>
    %swap3A_196 = vector.shape_cast %scan3A_153#6 : vector<16xf32> to vector<1x16xf32>
    tpu.vector_store %arg6[%swap3A_192, %swap3A_193], %swap3A_196 {strides = array<i32>} : memref<4x128xf32, #tpu.memory_space<vmem>>, vector<1x16xf32>,
    %swap3A_197 = arith.constant 1 : i32
    %swap3A_198 = arith.index_cast %swap3A_197 : i32 to index
    %swap3A_199 = arith.constant 112 : index
    %swap3A_200 = tpu.vector_load %arg6[%swap3A_198, %swap3A_199] {strides = array<i32>} : memref<4x128xf32, #tpu.memory_space<vmem>>, vector<1x16xf32>,
    %swap3A_201 = vector.shape_cast %swap3A_200 : vector<1x16xf32> to vector<16xf32>
    %swap3A_202 = vector.shape_cast %scan3A_153#7 : vector<16xf32> to vector<1x16xf32>
    tpu.vector_store %arg6[%swap3A_198, %swap3A_199], %swap3A_202 {strides = array<i32>} : memref<4x128xf32, #tpu.memory_space<vmem>>, vector<1x16xf32>,
    %add3A_203 = arith.constant 0 : i32
    %add3A_204 = arith.addi %mul3A_36, %add3A_203 : i32
    %dma_start3A_205 = arith.constant 3 : i32
    %dma_start3A_206 = tpu.memref_slice %arg2[%dma_start3A_205, %add3A_204, %add3A_34] : memref<4x2048x2048xf32, #tpu.memory_space<hbm>> -> memref<1x256x128xf32, #tpu.memory_space<hbm>>
    %dma_start3A_207 = tpu.memref_squeeze %dma_start3A_206 : memref<1x256x128xf32, #tpu.memory_space<hbm>> -> memref<256x128xf32, #tpu.memory_space<hbm>>
    %dma_start3A_208 = tpu.memref_slice %arg2[%dma_start3A_205, %add3A_204, %add3A_34] : memref<4x2048x2048xf32, #tpu.memory_space<hbm>> -> memref<1x256x128xf32, #tpu.memory_space<hbm>>
    %dma_start3A_209 = tpu.memref_squeeze %dma_start3A_208 : memref<1x256x128xf32, #tpu.memory_space<hbm>> -> memref<256x128xf32, #tpu.memory_space<hbm>>
    tpu.enqueue_dma source(%dma_start3A_209 : memref<256x128xf32, #tpu.memory_space<hbm>>) target(%arg5 : memref<256x128xf32, #tpu.memory_space<vmem>>) target_semaphore(%arg8 : memref<!tpu.dma_semaphore, #tpu.memory_space<semaphore_mem>>)
    %dma_wait3A_210 = arith.constant 2 : i32
    %dma_wait3A_211 = tpu.memref_slice %arg2[%dma_wait3A_210, %add3A_122, %add3A_34] : memref<4x2048x2048xf32, #tpu.memory_space<hbm>> -> memref<1x256x128xf32, #tpu.memory_space<hbm>>
    %dma_wait3A_212 = tpu.memref_squeeze %dma_wait3A_211 : memref<1x256x128xf32, #tpu.memory_space<hbm>> -> memref<256x128xf32, #tpu.memory_space<hbm>>
    %dma_wait3A_213 = tpu.memref_slice %arg2[%dma_wait3A_210, %add3A_122, %add3A_34] : memref<4x2048x2048xf32, #tpu.memory_space<hbm>> -> memref<1x256x128xf32, #tpu.memory_space<hbm>>
    %dma_wait3A_214 = tpu.memref_squeeze %dma_wait3A_213 : memref<1x256x128xf32, #tpu.memory_space<hbm>> -> memref<256x128xf32, #tpu.memory_space<hbm>>
    tpu.wait_dma2 semaphore(%arg7 : memref<!tpu.dma_semaphore, #tpu.memory_space<semaphore_mem>>) src(%dma_wait3A_214 : memref<256x128xf32, #tpu.memory_space<hbm>>) dst(%arg4 : memref<256x128xf32, #tpu.memory_space<vmem>>)
    %broadcast_in_dim3A_215 = arith.constant 0.000000e+00 : f32
    %broadcast_in_dim3A_216 = vector.broadcast %broadcast_in_dim3A_215 : f32 to vector<16xf32>
    %broadcast_in_dim3A_217 = arith.constant 0.000000e+00 : f32
    %broadcast_in_dim3A_218 = vector.broadcast %broadcast_in_dim3A_217 : f32 to vector<16xf32>
    %broadcast_in_dim3A_219 = arith.constant 0.000000e+00 : f32
    %broadcast_in_dim3A_220 = vector.broadcast %broadcast_in_dim3A_219 : f32 to vector<16xf32>
    %broadcast_in_dim3A_221 = arith.constant 0.000000e+00 : f32
    %broadcast_in_dim3A_222 = vector.broadcast %broadcast_in_dim3A_221 : f32 to vector<16xf32>
    %broadcast_in_dim3A_223 = arith.constant 0.000000e+00 : f32
    %broadcast_in_dim3A_224 = vector.broadcast %broadcast_in_dim3A_223 : f32 to vector<16xf32>
    %broadcast_in_dim3A_225 = arith.constant 0.000000e+00 : f32
    %broadcast_in_dim3A_226 = vector.broadcast %broadcast_in_dim3A_225 : f32 to vector<16xf32>
    %broadcast_in_dim3A_227 = arith.constant 0.000000e+00 : f32
    %broadcast_in_dim3A_228 = vector.broadcast %broadcast_in_dim3A_227 : f32 to vector<16xf32>
    %broadcast_in_dim3A_229 = arith.constant 0.000000e+00 : f32
    %broadcast_in_dim3A_230 = vector.broadcast %broadcast_in_dim3A_229 : f32 to vector<16xf32>
    %scan3A_231 = arith.constant 0 : i32
    %scan3A_232 = arith.constant 256 : i32
    %scan3A_233 = arith.addi %scan3A_231, %scan3A_232 : i32
    %scan3A_234 = arith.constant 1 : i32
    %scan3A_235:8 = scf.for %scan3A_362 = %scan3A_231 to %scan3A_233 step %scan3A_234 iter_args(%scan3A_363 = %broadcast_in_dim3A_216, %scan3A_364 = %broadcast_in_dim3A_218, %scan3A_365 = %broadcast_in_dim3A_220, %scan3A_366 = %broadcast_in_dim3A_222, %scan3A_367 = %broadcast_in_dim3A_224, %scan3A_368 = %broadcast_in_dim3A_226, %scan3A_369 = %broadcast_in_dim3A_228, %scan3A_370 = %broadcast_in_dim3A_230) -> (vector<16xf32>, vector<16xf32>, vector<16xf32>, vector<16xf32>, vector<16xf32>, vector<16xf32>, vector<16xf32>, vector<16xf32>)  : i32 {
      %get3A = arith.index_cast %scan3A_362 : i32 to index
      %get3A_371 = arith.constant 0 : index
      %get3A_372 = tpu.vector_load %arg4[%get3A, %get3A_371] {strides = array<i32>} : memref<256x128xf32, #tpu.memory_space<vmem>>, vector<1x16xf32>,
      %get3A_373 = vector.shape_cast %get3A_372 : vector<1x16xf32> to vector<16xf32>
      %add3A_374 = arith.addf %scan3A_363, %get3A_373 : vector<16xf32>
      %get3A_375 = arith.index_cast %scan3A_362 : i32 to index
      %get3A_376 = arith.constant 16 : index
      %get3A_377 = tpu.vector_load %arg4[%get3A_375, %get3A_376] {strides = array<i32>} : memref<256x128xf32, #tpu.memory_space<vmem>>, vector<1x16xf32>,
      %get3A_378 = vector.shape_cast %get3A_377 : vector<1x16xf32> to vector<16xf32>
      %add3A_379 = arith.addf %scan3A_364, %get3A_378 : vector<16xf32>
      %get3A_380 = arith.index_cast %scan3A_362 : i32 to index
      %get3A_381 = arith.constant 32 : index
      %get3A_382 = tpu.vector_load %arg4[%get3A_380, %get3A_381] {strides = array<i32>} : memref<256x128xf32, #tpu.memory_space<vmem>>, vector<1x16xf32>,
      %get3A_383 = vector.shape_cast %get3A_382 : vector<1x16xf32> to vector<16xf32>
      %add3A_384 = arith.addf %scan3A_365, %get3A_383 : vector<16xf32>
      %get3A_385 = arith.index_cast %scan3A_362 : i32 to index
      %get3A_386 = arith.constant 48 : index
      %get3A_387 = tpu.vector_load %arg4[%get3A_385, %get3A_386] {strides = array<i32>} : memref<256x128xf32, #tpu.memory_space<vmem>>, vector<1x16xf32>,
      %get3A_388 = vector.shape_cast %get3A_387 : vector<1x16xf32> to vector<16xf32>
      %add3A_389 = arith.addf %scan3A_366, %get3A_388 : vector<16xf32>
      %get3A_390 = arith.index_cast %scan3A_362 : i32 to index
      %get3A_391 = arith.constant 64 : index
      %get3A_392 = tpu.vector_load %arg4[%get3A_390, %get3A_391] {strides = array<i32>} : memref<256x128xf32, #tpu.memory_space<vmem>>, vector<1x16xf32>,
      %get3A_393 = vector.shape_cast %get3A_392 : vector<1x16xf32> to vector<16xf32>
      %add3A_394 = arith.addf %scan3A_367, %get3A_393 : vector<16xf32>
      %get3A_395 = arith.index_cast %scan3A_362 : i32 to index
      %get3A_396 = arith.constant 80 : index
      %get3A_397 = tpu.vector_load %arg4[%get3A_395, %get3A_396] {strides = array<i32>} : memref<256x128xf32, #tpu.memory_space<vmem>>, vector<1x16xf32>,
      %get3A_398 = vector.shape_cast %get3A_397 : vector<1x16xf32> to vector<16xf32>
      %add3A_399 = arith.addf %scan3A_368, %get3A_398 : vector<16xf32>
      %get3A_400 = arith.index_cast %scan3A_362 : i32 to index
      %get3A_401 = arith.constant 96 : index
      %get3A_402 = tpu.vector_load %arg4[%get3A_400, %get3A_401] {strides = array<i32>} : memref<256x128xf32, #tpu.memory_space<vmem>>, vector<1x16xf32>,
      %get3A_403 = vector.shape_cast %get3A_402 : vector<1x16xf32> to vector<16xf32>
      %add3A_404 = arith.addf %scan3A_369, %get3A_403 : vector<16xf32>
      %get3A_405 = arith.index_cast %scan3A_362 : i32 to index
      %get3A_406 = arith.constant 112 : index
      %get3A_407 = tpu.vector_load %arg4[%get3A_405, %get3A_406] {strides = array<i32>} : memref<256x128xf32, #tpu.memory_space<vmem>>, vector<1x16xf32>,
      %get3A_408 = vector.shape_cast %get3A_407 : vector<1x16xf32> to vector<16xf32>
      %add3A_409 = arith.addf %scan3A_370, %get3A_408 : vector<16xf32>
      scf.yield %add3A_374, %add3A_379, %add3A_384, %add3A_389, %add3A_394, %add3A_399, %add3A_404, %add3A_409 : vector<16xf32>, vector<16xf32>, vector<16xf32>, vector<16xf32>, vector<16xf32>, vector<16xf32>, vector<16xf32>, vector<16xf32>
    }
    %scan3A_236 = arith.constant 256 : i32
    %swap3A_237 = arith.constant 2 : i32
    %swap3A_238 = arith.index_cast %swap3A_237 : i32 to index
    %swap3A_239 = arith.constant 0 : index
    %swap3A_240 = tpu.vector_load %arg6[%swap3A_238, %swap3A_239] {strides = array<i32>} : memref<4x128xf32, #tpu.memory_space<vmem>>, vector<1x16xf32>,
    %swap3A_241 = vector.shape_cast %swap3A_240 : vector<1x16xf32> to vector<16xf32>
    %swap3A_242 = vector.shape_cast %scan3A_235#0 : vector<16xf32> to vector<1x16xf32>
    tpu.vector_store %arg6[%swap3A_238, %swap3A_239], %swap3A_242 {strides = array<i32>} : memref<4x128xf32, #tpu.memory_space<vmem>>, vector<1x16xf32>,
    %swap3A_243 = arith.constant 2 : i32
    %swap3A_244 = arith.index_cast %swap3A_243 : i32 to index
    %swap3A_245 = arith.constant 16 : index
    %swap3A_246 = tpu.vector_load %arg6[%swap3A_244, %swap3A_245] {strides = array<i32>} : memref<4x128xf32, #tpu.memory_space<vmem>>, vector<1x16xf32>,
    %swap3A_247 = vector.shape_cast %swap3A_246 : vector<1x16xf32> to vector<16xf32>
    %swap3A_248 = vector.shape_cast %scan3A_235#1 : vector<16xf32> to vector<1x16xf32>
    tpu.vector_store %arg6[%swap3A_244, %swap3A_245], %swap3A_248 {strides = array<i32>} : memref<4x128xf32, #tpu.memory_space<vmem>>, vector<1x16xf32>,
    %swap3A_249 = arith.constant 2 : i32
    %swap3A_250 = arith.index_cast %swap3A_249 : i32 to index
    %swap3A_251 = arith.constant 32 : index
    %swap3A_252 = tpu.vector_load %arg6[%swap3A_250, %swap3A_251] {strides = array<i32>} : memref<4x128xf32, #tpu.memory_space<vmem>>, vector<1x16xf32>,
    %swap3A_253 = vector.shape_cast %swap3A_252 : vector<1x16xf32> to vector<16xf32>
    %swap3A_254 = vector.shape_cast %scan3A_235#2 : vector<16xf32> to vector<1x16xf32>
    tpu.vector_store %arg6[%swap3A_250, %swap3A_251], %swap3A_254 {strides = array<i32>} : memref<4x128xf32, #tpu.memory_space<vmem>>, vector<1x16xf32>,
    %swap3A_255 = arith.constant 2 : i32
    %swap3A_256 = arith.index_cast %swap3A_255 : i32 to index
    %swap3A_257 = arith.constant 48 : index
    %swap3A_258 = tpu.vector_load %arg6[%swap3A_256, %swap3A_257] {strides = array<i32>} : memref<4x128xf32, #tpu.memory_space<vmem>>, vector<1x16xf32>,
    %swap3A_259 = vector.shape_cast %swap3A_258 : vector<1x16xf32> to vector<16xf32>
    %swap3A_260 = vector.shape_cast %scan3A_235#3 : vector<16xf32> to vector<1x16xf32>
    tpu.vector_store %arg6[%swap3A_256, %swap3A_257], %swap3A_260 {strides = array<i32>} : memref<4x128xf32, #tpu.memory_space<vmem>>, vector<1x16xf32>,
    %swap3A_261 = arith.constant 2 : i32
    %swap3A_262 = arith.index_cast %swap3A_261 : i32 to index
    %swap3A_263 = arith.constant 64 : index
    %swap3A_264 = tpu.vector_load %arg6[%swap3A_262, %swap3A_263] {strides = array<i32>} : memref<4x128xf32, #tpu.memory_space<vmem>>, vector<1x16xf32>,
    %swap3A_265 = vector.shape_cast %swap3A_264 : vector<1x16xf32> to vector<16xf32>
    %swap3A_266 = vector.shape_cast %scan3A_235#4 : vector<16xf32> to vector<1x16xf32>
    tpu.vector_store %arg6[%swap3A_262, %swap3A_263], %swap3A_266 {strides = array<i32>} : memref<4x128xf32, #tpu.memory_space<vmem>>, vector<1x16xf32>,
    %swap3A_267 = arith.constant 2 : i32
    %swap3A_268 = arith.index_cast %swap3A_267 : i32 to index
    %swap3A_269 = arith.constant 80 : index
    %swap3A_270 = tpu.vector_load %arg6[%swap3A_268, %swap3A_269] {strides = array<i32>} : memref<4x128xf32, #tpu.memory_space<vmem>>, vector<1x16xf32>,
    %swap3A_271 = vector.shape_cast %swap3A_270 : vector<1x16xf32> to vector<16xf32>
    %swap3A_272 = vector.shape_cast %scan3A_235#5 : vector<16xf32> to vector<1x16xf32>
    tpu.vector_store %arg6[%swap3A_268, %swap3A_269], %swap3A_272 {strides = array<i32>} : memref<4x128xf32, #tpu.memory_space<vmem>>, vector<1x16xf32>,
    %swap3A_273 = arith.constant 2 : i32
    %swap3A_274 = arith.index_cast %swap3A_273 : i32 to index
    %swap3A_275 = arith.constant 96 : index
    %swap3A_276 = tpu.vector_load %arg6[%swap3A_274, %swap3A_275] {strides = array<i32>} : memref<4x128xf32, #tpu.memory_space<vmem>>, vector<1x16xf32>,
    %swap3A_277 = vector.shape_cast %swap3A_276 : vector<1x16xf32> to vector<16xf32>
    %swap3A_278 = vector.shape_cast %scan3A_235#6 : vector<16xf32> to vector<1x16xf32>
    tpu.vector_store %arg6[%swap3A_274, %swap3A_275], %swap3A_278 {strides = array<i32>} : memref<4x128xf32, #tpu.memory_space<vmem>>, vector<1x16xf32>,
    %swap3A_279 = arith.constant 2 : i32
    %swap3A_280 = arith.index_cast %swap3A_279 : i32 to index
    %swap3A_281 = arith.constant 112 : index
    %swap3A_282 = tpu.vector_load %arg6[%swap3A_280, %swap3A_281] {strides = array<i32>} : memref<4x128xf32, #tpu.memory_space<vmem>>, vector<1x16xf32>,
    %swap3A_283 = vector.shape_cast %swap3A_282 : vector<1x16xf32> to vector<16xf32>
    %swap3A_284 = vector.shape_cast %scan3A_235#7 : vector<16xf32> to vector<1x16xf32>
    tpu.vector_store %arg6[%swap3A_280, %swap3A_281], %swap3A_284 {strides = array<i32>} : memref<4x128xf32, #tpu.memory_space<vmem>>, vector<1x16xf32>,
    %dma_wait3A_285 = arith.constant 3 : i32
    %dma_wait3A_286 = tpu.memref_slice %arg2[%dma_wait3A_285, %add3A_204, %add3A_34] : memref<4x2048x2048xf32, #tpu.memory_space<hbm>> -> memref<1x256x128xf32, #tpu.memory_space<hbm>>
    %dma_wait3A_287 = tpu.memref_squeeze %dma_wait3A_286 : memref<1x256x128xf32, #tpu.memory_space<hbm>> -> memref<256x128xf32, #tpu.memory_space<hbm>>
    %dma_wait3A_288 = tpu.memref_slice %arg2[%dma_wait3A_285, %add3A_204, %add3A_34] : memref<4x2048x2048xf32, #tpu.memory_space<hbm>> -> memref<1x256x128xf32, #tpu.memory_space<hbm>>
    %dma_wait3A_289 = tpu.memref_squeeze %dma_wait3A_288 : memref<1x256x128xf32, #tpu.memory_space<hbm>> -> memref<256x128xf32, #tpu.memory_space<hbm>>
    tpu.wait_dma2 semaphore(%arg8 : memref<!tpu.dma_semaphore, #tpu.memory_space<semaphore_mem>>) src(%dma_wait3A_289 : memref<256x128xf32, #tpu.memory_space<hbm>>) dst(%arg5 : memref<256x128xf32, #tpu.memory_space<vmem>>)
    %broadcast_in_dim3A_290 = arith.constant 0.000000e+00 : f32
    %broadcast_in_dim3A_291 = vector.broadcast %broadcast_in_dim3A_290 : f32 to vector<16xf32>
    %broadcast_in_dim3A_292 = arith.constant 0.000000e+00 : f32
    %broadcast_in_dim3A_293 = vector.broadcast %broadcast_in_dim3A_292 : f32 to vector<16xf32>
    %broadcast_in_dim3A_294 = arith.constant 0.000000e+00 : f32
    %broadcast_in_dim3A_295 = vector.broadcast %broadcast_in_dim3A_294 : f32 to vector<16xf32>
    %broadcast_in_dim3A_296 = arith.constant 0.000000e+00 : f32
    %broadcast_in_dim3A_297 = vector.broadcast %broadcast_in_dim3A_296 : f32 to vector<16xf32>
    %broadcast_in_dim3A_298 = arith.constant 0.000000e+00 : f32
    %broadcast_in_dim3A_299 = vector.broadcast %broadcast_in_dim3A_298 : f32 to vector<16xf32>
    %broadcast_in_dim3A_300 = arith.constant 0.000000e+00 : f32
    %broadcast_in_dim3A_301 = vector.broadcast %broadcast_in_dim3A_300 : f32 to vector<16xf32>
    %broadcast_in_dim3A_302 = arith.constant 0.000000e+00 : f32
    %broadcast_in_dim3A_303 = vector.broadcast %broadcast_in_dim3A_302 : f32 to vector<16xf32>
    %broadcast_in_dim3A_304 = arith.constant 0.000000e+00 : f32
    %broadcast_in_dim3A_305 = vector.broadcast %broadcast_in_dim3A_304 : f32 to vector<16xf32>
    %scan3A_306 = arith.constant 0 : i32
    %scan3A_307 = arith.constant 256 : i32
    %scan3A_308 = arith.addi %scan3A_306, %scan3A_307 : i32
    %scan3A_309 = arith.constant 1 : i32
    %scan3A_310:8 = scf.for %scan3A_362 = %scan3A_306 to %scan3A_308 step %scan3A_309 iter_args(%scan3A_363 = %broadcast_in_dim3A_291, %scan3A_364 = %broadcast_in_dim3A_293, %scan3A_365 = %broadcast_in_dim3A_295, %scan3A_366 = %broadcast_in_dim3A_297, %scan3A_367 = %broadcast_in_dim3A_299, %scan3A_368 = %broadcast_in_dim3A_301, %scan3A_369 = %broadcast_in_dim3A_303, %scan3A_370 = %broadcast_in_dim3A_305) -> (vector<16xf32>, vector<16xf32>, vector<16xf32>, vector<16xf32>, vector<16xf32>, vector<16xf32>, vector<16xf32>, vector<16xf32>)  : i32 {
      %get3A = arith.index_cast %scan3A_362 : i32 to index
      %get3A_371 = arith.constant 0 : index
      %get3A_372 = tpu.vector_load %arg5[%get3A, %get3A_371] {strides = array<i32>} : memref<256x128xf32, #tpu.memory_space<vmem>>, vector<1x16xf32>,
      %get3A_373 = vector.shape_cast %get3A_372 : vector<1x16xf32> to vector<16xf32>
      %add3A_374 = arith.addf %scan3A_363, %get3A_373 : vector<16xf32>
      %get3A_375 = arith.index_cast %scan3A_362 : i32 to index
      %get3A_376 = arith.constant 16 : index
      %get3A_377 = tpu.vector_load %arg5[%get3A_375, %get3A_376] {strides = array<i32>} : memref<256x128xf32, #tpu.memory_space<vmem>>, vector<1x16xf32>,
      %get3A_378 = vector.shape_cast %get3A_377 : vector<1x16xf32> to vector<16xf32>
      %add3A_379 = arith.addf %scan3A_364, %get3A_378 : vector<16xf32>
      %get3A_380 = arith.index_cast %scan3A_362 : i32 to index
      %get3A_381 = arith.constant 32 : index
      %get3A_382 = tpu.vector_load %arg5[%get3A_380, %get3A_381] {strides = array<i32>} : memref<256x128xf32, #tpu.memory_space<vmem>>, vector<1x16xf32>,
      %get3A_383 = vector.shape_cast %get3A_382 : vector<1x16xf32> to vector<16xf32>
      %add3A_384 = arith.addf %scan3A_365, %get3A_383 : vector<16xf32>
      %get3A_385 = arith.index_cast %scan3A_362 : i32 to index
      %get3A_386 = arith.constant 48 : index
      %get3A_387 = tpu.vector_load %arg5[%get3A_385, %get3A_386] {strides = array<i32>} : memref<256x128xf32, #tpu.memory_space<vmem>>, vector<1x16xf32>,
      %get3A_388 = vector.shape_cast %get3A_387 : vector<1x16xf32> to vector<16xf32>
      %add3A_389 = arith.addf %scan3A_366, %get3A_388 : vector<16xf32>
      %get3A_390 = arith.index_cast %scan3A_362 : i32 to index
      %get3A_391 = arith.constant 64 : index
      %get3A_392 = tpu.vector_load %arg5[%get3A_390, %get3A_391] {strides = array<i32>} : memref<256x128xf32, #tpu.memory_space<vmem>>, vector<1x16xf32>,
      %get3A_393 = vector.shape_cast %get3A_392 : vector<1x16xf32> to vector<16xf32>
      %add3A_394 = arith.addf %scan3A_367, %get3A_393 : vector<16xf32>
      %get3A_395 = arith.index_cast %scan3A_362 : i32 to index
      %get3A_396 = arith.constant 80 : index
      %get3A_397 = tpu.vector_load %arg5[%get3A_395, %get3A_396] {strides = array<i32>} : memref<256x128xf32, #tpu.memory_space<vmem>>, vector<1x16xf32>,
      %get3A_398 = vector.shape_cast %get3A_397 : vector<1x16xf32> to vector<16xf32>
      %add3A_399 = arith.addf %scan3A_368, %get3A_398 : vector<16xf32>
      %get3A_400 = arith.index_cast %scan3A_362 : i32 to index
      %get3A_401 = arith.constant 96 : index
      %get3A_402 = tpu.vector_load %arg5[%get3A_400, %get3A_401] {strides = array<i32>} : memref<256x128xf32, #tpu.memory_space<vmem>>, vector<1x16xf32>,
      %get3A_403 = vector.shape_cast %get3A_402 : vector<1x16xf32> to vector<16xf32>
      %add3A_404 = arith.addf %scan3A_369, %get3A_403 : vector<16xf32>
      %get3A_405 = arith.index_cast %scan3A_362 : i32 to index
      %get3A_406 = arith.constant 112 : index
      %get3A_407 = tpu.vector_load %arg5[%get3A_405, %get3A_406] {strides = array<i32>} : memref<256x128xf32, #tpu.memory_space<vmem>>, vector<1x16xf32>,
      %get3A_408 = vector.shape_cast %get3A_407 : vector<1x16xf32> to vector<16xf32>
      %add3A_409 = arith.addf %scan3A_370, %get3A_408 : vector<16xf32>
      scf.yield %add3A_374, %add3A_379, %add3A_384, %add3A_389, %add3A_394, %add3A_399, %add3A_404, %add3A_409 : vector<16xf32>, vector<16xf32>, vector<16xf32>, vector<16xf32>, vector<16xf32>, vector<16xf32>, vector<16xf32>, vector<16xf32>
    }
    %scan3A_311 = arith.constant 256 : i32
    %swap3A_312 = arith.constant 3 : i32
    %swap3A_313 = arith.index_cast %swap3A_312 : i32 to index
    %swap3A_314 = arith.constant 0 : index
    %swap3A_315 = tpu.vector_load %arg6[%swap3A_313, %swap3A_314] {strides = array<i32>} : memref<4x128xf32, #tpu.memory_space<vmem>>, vector<1x16xf32>,
    %swap3A_316 = vector.shape_cast %swap3A_315 : vector<1x16xf32> to vector<16xf32>
    %swap3A_317 = vector.shape_cast %scan3A_310#0 : vector<16xf32> to vector<1x16xf32>
    tpu.vector_store %arg6[%swap3A_313, %swap3A_314], %swap3A_317 {strides = array<i32>} : memref<4x128xf32, #tpu.memory_space<vmem>>, vector<1x16xf32>,
    %swap3A_318 = arith.constant 3 : i32
    %swap3A_319 = arith.index_cast %swap3A_318 : i32 to index
    %swap3A_320 = arith.constant 16 : index
    %swap3A_321 = tpu.vector_load %arg6[%swap3A_319, %swap3A_320] {strides = array<i32>} : memref<4x128xf32, #tpu.memory_space<vmem>>, vector<1x16xf32>,
    %swap3A_322 = vector.shape_cast %swap3A_321 : vector<1x16xf32> to vector<16xf32>
    %swap3A_323 = vector.shape_cast %scan3A_310#1 : vector<16xf32> to vector<1x16xf32>
    tpu.vector_store %arg6[%swap3A_319, %swap3A_320], %swap3A_323 {strides = array<i32>} : memref<4x128xf32, #tpu.memory_space<vmem>>, vector<1x16xf32>,
    %swap3A_324 = arith.constant 3 : i32
    %swap3A_325 = arith.index_cast %swap3A_324 : i32 to index
    %swap3A_326 = arith.constant 32 : index
    %swap3A_327 = tpu.vector_load %arg6[%swap3A_325, %swap3A_326] {strides = array<i32>} : memref<4x128xf32, #tpu.memory_space<vmem>>, vector<1x16xf32>,
    %swap3A_328 = vector.shape_cast %swap3A_327 : vector<1x16xf32> to vector<16xf32>
    %swap3A_329 = vector.shape_cast %scan3A_310#2 : vector<16xf32> to vector<1x16xf32>
    tpu.vector_store %arg6[%swap3A_325, %swap3A_326], %swap3A_329 {strides = array<i32>} : memref<4x128xf32, #tpu.memory_space<vmem>>, vector<1x16xf32>,
    %swap3A_330 = arith.constant 3 : i32
    %swap3A_331 = arith.index_cast %swap3A_330 : i32 to index
    %swap3A_332 = arith.constant 48 : index
    %swap3A_333 = tpu.vector_load %arg6[%swap3A_331, %swap3A_332] {strides = array<i32>} : memref<4x128xf32, #tpu.memory_space<vmem>>, vector<1x16xf32>,
    %swap3A_334 = vector.shape_cast %swap3A_333 : vector<1x16xf32> to vector<16xf32>
    %swap3A_335 = vector.shape_cast %scan3A_310#3 : vector<16xf32> to vector<1x16xf32>
    tpu.vector_store %arg6[%swap3A_331, %swap3A_332], %swap3A_335 {strides = array<i32>} : memref<4x128xf32, #tpu.memory_space<vmem>>, vector<1x16xf32>,
    %swap3A_336 = arith.constant 3 : i32
    %swap3A_337 = arith.index_cast %swap3A_336 : i32 to index
    %swap3A_338 = arith.constant 64 : index
    %swap3A_339 = tpu.vector_load %arg6[%swap3A_337, %swap3A_338] {strides = array<i32>} : memref<4x128xf32, #tpu.memory_space<vmem>>, vector<1x16xf32>,
    %swap3A_340 = vector.shape_cast %swap3A_339 : vector<1x16xf32> to vector<16xf32>
    %swap3A_341 = vector.shape_cast %scan3A_310#4 : vector<16xf32> to vector<1x16xf32>
    tpu.vector_store %arg6[%swap3A_337, %swap3A_338], %swap3A_341 {strides = array<i32>} : memref<4x128xf32, #tpu.memory_space<vmem>>, vector<1x16xf32>,
    %swap3A_342 = arith.constant 3 : i32
    %swap3A_343 = arith.index_cast %swap3A_342 : i32 to index
    %swap3A_344 = arith.constant 80 : index
    %swap3A_345 = tpu.vector_load %arg6[%swap3A_343, %swap3A_344] {strides = array<i32>} : memref<4x128xf32, #tpu.memory_space<vmem>>, vector<1x16xf32>,
    %swap3A_346 = vector.shape_cast %swap3A_345 : vector<1x16xf32> to vector<16xf32>
    %swap3A_347 = vector.shape_cast %scan3A_310#5 : vector<16xf32> to vector<1x16xf32>
    tpu.vector_store %arg6[%swap3A_343, %swap3A_344], %swap3A_347 {strides = array<i32>} : memref<4x128xf32, #tpu.memory_space<vmem>>, vector<1x16xf32>,
    %swap3A_348 = arith.constant 3 : i32
    %swap3A_349 = arith.index_cast %swap3A_348 : i32 to index
    %swap3A_350 = arith.constant 96 : index
    %swap3A_351 = tpu.vector_load %arg6[%swap3A_349, %swap3A_350] {strides = array<i32>} : memref<4x128xf32, #tpu.memory_space<vmem>>, vector<1x16xf32>,
    %swap3A_352 = vector.shape_cast %swap3A_351 : vector<1x16xf32> to vector<16xf32>
    %swap3A_353 = vector.shape_cast %scan3A_310#6 : vector<16xf32> to vector<1x16xf32>
    tpu.vector_store %arg6[%swap3A_349, %swap3A_350], %swap3A_353 {strides = array<i32>} : memref<4x128xf32, #tpu.memory_space<vmem>>, vector<1x16xf32>,
    %swap3A_354 = arith.constant 3 : i32
    %swap3A_355 = arith.index_cast %swap3A_354 : i32 to index
    %swap3A_356 = arith.constant 112 : index
    %swap3A_357 = tpu.vector_load %arg6[%swap3A_355, %swap3A_356] {strides = array<i32>} : memref<4x128xf32, #tpu.memory_space<vmem>>, vector<1x16xf32>,
    %swap3A_358 = vector.shape_cast %swap3A_357 : vector<1x16xf32> to vector<16xf32>
    %swap3A_359 = vector.shape_cast %scan3A_310#7 : vector<16xf32> to vector<1x16xf32>
    tpu.vector_store %arg6[%swap3A_355, %swap3A_356], %swap3A_359 {strides = array<i32>} : memref<4x128xf32, #tpu.memory_space<vmem>>, vector<1x16xf32>,
    %mul3A_360 = arith.constant 128 : i32
    %mul3A_361 = arith.muli %select_n3A_9, %mul3A_360 : i32
    "tpu.region"() ({
      %run_scoped3A = tpu.sem_alloc : memref<!tpu.dma_semaphore, #tpu.memory_space<semaphore_mem>>
      %dma_start3A_362 = arith.constant 0 : i32
      %dma_start3A_363 = tpu.memref_slice %arg3[%select_n3A_30, %dma_start3A_362, %mul3A_361] : memref<8x4x512xf32, #tpu.memory_space<hbm>> -> memref<1x4x128xf32, #tpu.memory_space<hbm>>
      %dma_start3A_364 = tpu.memref_squeeze %dma_start3A_363 : memref<1x4x128xf32, #tpu.memory_space<hbm>> -> memref<4x128xf32, #tpu.memory_space<hbm>>
      %dma_start3A_365 = arith.constant 0 : i32
      %dma_start3A_366 = tpu.memref_slice %arg3[%select_n3A_30, %dma_start3A_365, %mul3A_361] : memref<8x4x512xf32, #tpu.memory_space<hbm>> -> memref<1x4x128xf32, #tpu.memory_space<hbm>>
      %dma_start3A_367 = tpu.memref_squeeze %dma_start3A_366 : memref<1x4x128xf32, #tpu.memory_space<hbm>> -> memref<4x128xf32, #tpu.memory_space<hbm>>
      tpu.enqueue_dma source(%arg6 : memref<4x128xf32, #tpu.memory_space<vmem>>) target(%dma_start3A_367 : memref<4x128xf32, #tpu.memory_space<hbm>>) target_semaphore(%run_scoped3A : memref<!tpu.dma_semaphore, #tpu.memory_space<semaphore_mem>>)
      %dma_wait3A_368 = arith.constant 0 : i32
      %dma_wait3A_369 = tpu.memref_slice %arg3[%select_n3A_30, %dma_wait3A_368, %mul3A_361] : memref<8x4x512xf32, #tpu.memory_space<hbm>> -> memref<1x4x128xf32, #tpu.memory_space<hbm>>
      %dma_wait3A_370 = tpu.memref_squeeze %dma_wait3A_369 : memref<1x4x128xf32, #tpu.memory_space<hbm>> -> memref<4x128xf32, #tpu.memory_space<hbm>>
      %dma_wait3A_371 = arith.constant 0 : i32
      %dma_wait3A_372 = tpu.memref_slice %arg3[%select_n3A_30, %dma_wait3A_371, %mul3A_361] : memref<8x4x512xf32, #tpu.memory_space<hbm>> -> memref<1x4x128xf32, #tpu.memory_space<hbm>>
      %dma_wait3A_373 = tpu.memref_squeeze %dma_wait3A_372 : memref<1x4x128xf32, #tpu.memory_space<hbm>> -> memref<4x128xf32, #tpu.memory_space<hbm>>
      tpu.wait_dma2 semaphore(%run_scoped3A : memref<!tpu.dma_semaphore, #tpu.memory_space<semaphore_mem>>) src(%arg6 : memref<4x128xf32, #tpu.memory_space<vmem>>) dst(%dma_wait3A_373 : memref<4x128xf32, #tpu.memory_space<hbm>>)
      tpu.yield
    }) : () -> ()
    return
  }
}

module attributes {stable_mosaic.version = 14 : i64} {
  func.func @_tc_head_kernel(%arg0: i32, %arg1: memref<4x2048x256xf32, #tpu.memory_space<vmem>>, %arg2: memref<256x2048xf32, #tpu.memory_space<vmem>>, %arg3: memref<4x2048xf32, #tpu.memory_space<vmem>>) attributes {dimension_semantics = [#tpu.dimension_semantics<arbitrary>], iteration_bounds = array<i64: 6>, scalar_prefetch = 0 : i64, scratch_operands = 0 : i64, tpu.core_type = #tpu.core_type<tc>, window_params = [{transform_indices = @transform_0, window_bounds = array<i64: 4, 2048, 256>}, {transform_indices = @transform_1, window_bounds = array<i64: 256, 2048>}, {pipeline_mode = #tpu.pipeline_mode<synchronous>, transform_indices = @transform_2, window_bounds = array<i64: 4, 2048>}]} {
    %get3A = arith.constant 0 : index
    %get3A_0 = arith.constant 0 : index
    %get3A_1 = arith.constant 0 : index
    %get3A_2 = vector.load %arg1[%get3A, %get3A_0, %get3A_1] : memref<4x2048x256xf32, #tpu.memory_space<vmem>>, vector<4x2048x256xf32>
    %reduce_sum3A = arith.constant dense<0.000000e+00> : vector<4x256xf32>
    %reduce_sum3A_3 = vector.multi_reduction <add>, %get3A_2, %reduce_sum3A [1] : vector<4x2048x256xf32> to vector<4x256xf32>
    %mul3A = arith.constant 4.8828125E-4 : f32
    %mul3A_4 = vector.broadcast %mul3A : f32 to vector<4x256xf32>
    %mul3A_5 = arith.mulf %reduce_sum3A_3, %mul3A_4 : vector<4x256xf32>
    %get3A_6 = arith.constant 0 : index
    %get3A_7 = arith.constant 0 : index
    %get3A_8 = vector.load %arg2[%get3A_6, %get3A_7] : memref<256x2048xf32, #tpu.memory_space<vmem>>, vector<256x2048xf32>
    %dot_general3A = arith.constant dense<0.000000e+00> : vector<4x2048xf32>
    %dot_general3A_9 = tpu.matmul %mul3A_5, %get3A_8, %dot_general3A {dimension_numbers = #tpu.dot_dimension_numbers<[1], [0], [0], [1], [0, 0, 1, 1], [], []>, transpose_lhs_hint = false} : vector<4x256xf32>, vector<256x2048xf32>, vector<4x2048xf32> -> vector<4x2048xf32>
    %eq3A = arith.constant 0 : i32
    %eq3A_10 = arith.cmpi eq, %arg0, %eq3A : i32
    %convert_element_type3A = arith.extui %eq3A_10 : i1 to i32
    %cond3A = arith.constant 0 : i32
    %cond3A_11 = arith.cmpi ne, %convert_element_type3A, %cond3A : i32
    scf.if %cond3A_11 {
      %swap3A = arith.constant 0 : index
      %swap3A_16 = arith.constant 0 : index
      %swap3A_17 = vector.load %arg3[%swap3A, %swap3A_16] : memref<4x2048xf32, #tpu.memory_space<vmem>>, vector<4x2048xf32>
      tpu.vector_store %arg3[%swap3A, %swap3A_16], %dot_general3A_9 {strides = array<i32>} : memref<4x2048xf32, #tpu.memory_space<vmem>>, vector<4x2048xf32>,
    } else {
    }
    %ne3A = arith.constant 0 : i32
    %ne3A_12 = arith.cmpi ne, %arg0, %ne3A : i32
    %convert_element_type3A_13 = arith.extui %ne3A_12 : i1 to i32
    %cond3A_14 = arith.constant 0 : i32
    %cond3A_15 = arith.cmpi ne, %convert_element_type3A_13, %cond3A_14 : i32
    scf.if %cond3A_15 {
      %get3A_16 = arith.constant 0 : index
      %get3A_17 = arith.constant 0 : index
      %get3A_18 = vector.load %arg3[%get3A_16, %get3A_17] : memref<4x2048xf32, #tpu.memory_space<vmem>>, vector<4x2048xf32>
      %add3A = arith.addf %get3A_18, %dot_general3A_9 : vector<4x2048xf32>
      %swap3A = arith.constant 0 : index
      %swap3A_19 = arith.constant 0 : index
      %swap3A_20 = vector.load %arg3[%swap3A, %swap3A_19] : memref<4x2048xf32, #tpu.memory_space<vmem>>, vector<4x2048xf32>
      tpu.vector_store %arg3[%swap3A, %swap3A_19], %add3A {strides = array<i32>} : memref<4x2048xf32, #tpu.memory_space<vmem>>, vector<4x2048xf32>,
    } else {
    }
    return
  }
  func.func @transform_0(%arg0: i32) -> (i32, i32, i32) {
    %c0_i32 = arith.constant 0 : i32
    %c0_i32_0 = arith.constant 0 : i32
    %c0_i32_1 = arith.constant 0 : i32
    return %c0_i32, %c0_i32_0, %arg0 : i32, i32, i32
  }
  func.func @transform_1(%arg0: i32) -> (i32, i32) {
    %c0_i32 = arith.constant 0 : i32
    %c0_i32_0 = arith.constant 0 : i32
    return %arg0, %c0_i32 : i32, i32
  }
  func.func @transform_2(%arg0: i32) -> (i32, i32) {
    %c0_i32 = arith.constant 0 : i32
    %c0_i32_0 = arith.constant 0 : i32
    %c0_i32_1 = arith.constant 0 : i32
    return %c0_i32, %c0_i32_0 : i32, i32
  }
}

module attributes {stable_mosaic.version = 14 : i64} {
  func.func @_tc_merge_kernel(%arg0: i32, %arg1: memref<4x2048xf32, #tpu.memory_space<vmem>>, %arg2: memref<8x4x256xf32, #tpu.memory_space<vmem>>, %arg3: memref<256x2048xf32, #tpu.memory_space<vmem>>, %arg4: memref<1x2048xf32, #tpu.memory_space<vmem>>, %arg5: memref<2048x16xf32, #tpu.memory_space<vmem>>, %arg6: memref<1x16xf32, #tpu.memory_space<vmem>>, %arg7: memref<4x2xf32, #tpu.memory_space<vmem>>, %arg8: memref<4x2xi32, #tpu.memory_space<vmem>>, %arg9: memref<1x1xf32, #tpu.memory_space<vmem>>, %arg10: memref<4x2048xf32, #tpu.memory_space<vmem>>) attributes {dimension_semantics = [#tpu.dimension_semantics<arbitrary>], iteration_bounds = array<i64: 2>, scalar_prefetch = 0 : i64, scratch_operands = 1 : i64, tpu.core_type = #tpu.core_type<tc>, window_params = [{pipeline_mode = #tpu.pipeline_mode<synchronous>, transform_indices = @transform_0, window_bounds = array<i64: 4, 2048>}, {transform_indices = @transform_1, window_bounds = array<i64: 8, 4, 256>}, {transform_indices = @transform_2, window_bounds = array<i64: 256, 2048>}, {pipeline_mode = #tpu.pipeline_mode<synchronous>, transform_indices = @transform_3, window_bounds = array<i64: 1, 2048>}, {pipeline_mode = #tpu.pipeline_mode<synchronous>, transform_indices = @transform_4, window_bounds = array<i64: 2048, 16>}, {pipeline_mode = #tpu.pipeline_mode<synchronous>, transform_indices = @transform_5, window_bounds = array<i64: 1, 16>}, {pipeline_mode = #tpu.pipeline_mode<synchronous>, transform_indices = @transform_6, window_bounds = array<i64: 4, 2>}, {pipeline_mode = #tpu.pipeline_mode<synchronous>, transform_indices = @transform_7, window_bounds = array<i64: 4, 2>}, {pipeline_mode = #tpu.pipeline_mode<synchronous>, transform_indices = @transform_8, window_bounds = array<i64: 1, 1>}]} {
    %eq3A = arith.constant 0 : i32
    %eq3A_0 = arith.cmpi eq, %arg0, %eq3A : i32
    %convert_element_type3A = arith.extui %eq3A_0 : i1 to i32
    %cond3A = arith.constant 0 : i32
    %cond3A_1 = arith.cmpi ne, %convert_element_type3A, %cond3A : i32
    scf.if %cond3A_1 {
      %get3A_64 = arith.constant 0 : index
      %get3A_65 = arith.constant 0 : index
      %get3A_66 = vector.load %arg1[%get3A_64, %get3A_65] : memref<4x2048xf32, #tpu.memory_space<vmem>>, vector<4x2048xf32>
      %swap3A_67 = arith.constant 0 : index
      %swap3A_68 = arith.constant 0 : index
      %swap3A_69 = vector.load %arg10[%swap3A_67, %swap3A_68] : memref<4x2048xf32, #tpu.memory_space<vmem>>, vector<4x2048xf32>
      tpu.vector_store %arg10[%swap3A_67, %swap3A_68], %get3A_66 {strides = array<i32>} : memref<4x2048xf32, #tpu.memory_space<vmem>>, vector<4x2048xf32>,
    } else {
    }
    %get3A = arith.constant 0 : index
    %get3A_2 = arith.constant 0 : index
    %get3A_3 = arith.constant 0 : index
    %get3A_4 = vector.load %arg2[%get3A, %get3A_2, %get3A_3] : memref<8x4x256xf32, #tpu.memory_space<vmem>>, vector<1x4x256xf32>
    %get3A_5 = vector.shape_cast %get3A_4 : vector<1x4x256xf32> to vector<4x256xf32>
    %get3A_6 = arith.constant 1 : index
    %get3A_7 = arith.constant 0 : index
    %get3A_8 = arith.constant 0 : index
    %get3A_9 = vector.load %arg2[%get3A_6, %get3A_7, %get3A_8] : memref<8x4x256xf32, #tpu.memory_space<vmem>>, vector<1x4x256xf32>
    %get3A_10 = vector.shape_cast %get3A_9 : vector<1x4x256xf32> to vector<4x256xf32>
    %add3A = arith.addf %get3A_5, %get3A_10 : vector<4x256xf32>
    %get3A_11 = arith.constant 2 : index
    %get3A_12 = arith.constant 0 : index
    %get3A_13 = arith.constant 0 : index
    %get3A_14 = vector.load %arg2[%get3A_11, %get3A_12, %get3A_13] : memref<8x4x256xf32, #tpu.memory_space<vmem>>, vector<1x4x256xf32>
    %get3A_15 = vector.shape_cast %get3A_14 : vector<1x4x256xf32> to vector<4x256xf32>
    %add3A_16 = arith.addf %add3A, %get3A_15 : vector<4x256xf32>
    %get3A_17 = arith.constant 3 : index
    %get3A_18 = arith.constant 0 : index
    %get3A_19 = arith.constant 0 : index
    %get3A_20 = vector.load %arg2[%get3A_17, %get3A_18, %get3A_19] : memref<8x4x256xf32, #tpu.memory_space<vmem>>, vector<1x4x256xf32>
    %get3A_21 = vector.shape_cast %get3A_20 : vector<1x4x256xf32> to vector<4x256xf32>
    %add3A_22 = arith.addf %add3A_16, %get3A_21 : vector<4x256xf32>
    %get3A_23 = arith.constant 4 : index
    %get3A_24 = arith.constant 0 : index
    %get3A_25 = arith.constant 0 : index
    %get3A_26 = vector.load %arg2[%get3A_23, %get3A_24, %get3A_25] : memref<8x4x256xf32, #tpu.memory_space<vmem>>, vector<1x4x256xf32>
    %get3A_27 = vector.shape_cast %get3A_26 : vector<1x4x256xf32> to vector<4x256xf32>
    %add3A_28 = arith.addf %add3A_22, %get3A_27 : vector<4x256xf32>
    %get3A_29 = arith.constant 5 : index
    %get3A_30 = arith.constant 0 : index
    %get3A_31 = arith.constant 0 : index
    %get3A_32 = vector.load %arg2[%get3A_29, %get3A_30, %get3A_31] : memref<8x4x256xf32, #tpu.memory_space<vmem>>, vector<1x4x256xf32>
    %get3A_33 = vector.shape_cast %get3A_32 : vector<1x4x256xf32> to vector<4x256xf32>
    %add3A_34 = arith.addf %add3A_28, %get3A_33 : vector<4x256xf32>
    %get3A_35 = arith.constant 6 : index
    %get3A_36 = arith.constant 0 : index
    %get3A_37 = arith.constant 0 : index
    %get3A_38 = vector.load %arg2[%get3A_35, %get3A_36, %get3A_37] : memref<8x4x256xf32, #tpu.memory_space<vmem>>, vector<1x4x256xf32>
    %get3A_39 = vector.shape_cast %get3A_38 : vector<1x4x256xf32> to vector<4x256xf32>
    %add3A_40 = arith.addf %add3A_34, %get3A_39 : vector<4x256xf32>
    %get3A_41 = arith.constant 7 : index
    %get3A_42 = arith.constant 0 : index
    %get3A_43 = arith.constant 0 : index
    %get3A_44 = vector.load %arg2[%get3A_41, %get3A_42, %get3A_43] : memref<8x4x256xf32, #tpu.memory_space<vmem>>, vector<1x4x256xf32>
    %get3A_45 = vector.shape_cast %get3A_44 : vector<1x4x256xf32> to vector<4x256xf32>
    %add3A_46 = arith.addf %add3A_40, %get3A_45 : vector<4x256xf32>
    %mul3A = arith.constant 4.8828125E-4 : f32
    %mul3A_47 = vector.broadcast %mul3A : f32 to vector<4x256xf32>
    %mul3A_48 = arith.mulf %add3A_46, %mul3A_47 : vector<4x256xf32>
    %get3A_49 = arith.constant 0 : index
    %get3A_50 = arith.constant 0 : index
    %get3A_51 = vector.load %arg10[%get3A_49, %get3A_50] : memref<4x2048xf32, #tpu.memory_space<vmem>>, vector<4x2048xf32>
    %get3A_52 = arith.constant 0 : index
    %get3A_53 = arith.constant 0 : index
    %get3A_54 = vector.load %arg3[%get3A_52, %get3A_53] : memref<256x2048xf32, #tpu.memory_space<vmem>>, vector<256x2048xf32>
    %dot_general3A = arith.constant dense<0.000000e+00> : vector<4x2048xf32>
    %dot_general3A_55 = tpu.matmul %mul3A_48, %get3A_54, %dot_general3A {dimension_numbers = #tpu.dot_dimension_numbers<[1], [0], [0], [1], [0, 0, 1, 1], [], []>, transpose_lhs_hint = false} : vector<4x256xf32>, vector<256x2048xf32>, vector<4x2048xf32> -> vector<4x2048xf32>
    %add3A_56 = arith.addf %get3A_51, %dot_general3A_55 : vector<4x2048xf32>
    %swap3A = arith.constant 0 : index
    %swap3A_57 = arith.constant 0 : index
    %swap3A_58 = vector.load %arg10[%swap3A, %swap3A_57] : memref<4x2048xf32, #tpu.memory_space<vmem>>, vector<4x2048xf32>
    tpu.vector_store %arg10[%swap3A, %swap3A_57], %add3A_56 {strides = array<i32>} : memref<4x2048xf32, #tpu.memory_space<vmem>>, vector<4x2048xf32>,
    %eq3A_59 = arith.constant 1 : i32
    %eq3A_60 = arith.cmpi eq, %arg0, %eq3A_59 : i32
    %convert_element_type3A_61 = arith.extui %eq3A_60 : i1 to i32
    %cond3A_62 = arith.constant 0 : i32
    %cond3A_63 = arith.cmpi ne, %convert_element_type3A_61, %cond3A_62 : i32
    scf.if %cond3A_63 {
      %get3A_64 = arith.constant 0 : index
      %get3A_65 = arith.constant 0 : index
      %get3A_66 = vector.load %arg10[%get3A_64, %get3A_65] : memref<4x2048xf32, #tpu.memory_space<vmem>>, vector<4x2048xf32>
      %get3A_67 = arith.constant 0 : index
      %get3A_68 = arith.constant 0 : index
      %get3A_69 = vector.load %arg4[%get3A_67, %get3A_68] : memref<1x2048xf32, #tpu.memory_space<vmem>>, vector<1x2048xf32>
      %add3A_70 = vector.broadcast %get3A_69 : vector<1x2048xf32> to vector<4x2048xf32>
      %add3A_71 = arith.addf %get3A_66, %add3A_70 : vector<4x2048xf32>
      %logistic3A = arith.negf %add3A_71 : vector<4x2048xf32>
      %logistic3A_72 = math.exp %logistic3A : vector<4x2048xf32>
      %logistic3A_73 = arith.constant 1.000000e+00 : f32
      %logistic3A_74 = vector.broadcast %logistic3A_73 : f32 to vector<4x2048xf32>
      %logistic3A_75 = arith.addf %logistic3A_74, %logistic3A_72 : vector<4x2048xf32>
      %logistic3A_76 = arith.divf %logistic3A_74, %logistic3A_75 : vector<4x2048xf32>
      %mul3A_77 = arith.mulf %add3A_71, %logistic3A_76 : vector<4x2048xf32>
      %get3A_78 = arith.constant 0 : index
      %get3A_79 = arith.constant 0 : index
      %get3A_80 = vector.load %arg5[%get3A_78, %get3A_79] : memref<2048x16xf32, #tpu.memory_space<vmem>>, vector<2048x16xf32>
      %dot_general3A_81 = arith.constant dense<0.000000e+00> : vector<4x16xf32>
      %dot_general3A_82 = tpu.matmul %mul3A_77, %get3A_80, %dot_general3A_81 {dimension_numbers = #tpu.dot_dimension_numbers<[1], [0], [0], [1], [0, 0, 1, 1], [], []>, transpose_lhs_hint = false} : vector<4x2048xf32>, vector<2048x16xf32>, vector<4x16xf32> -> vector<4x16xf32>
      %get3A_83 = arith.constant 0 : index
      %get3A_84 = arith.constant 0 : index
      %get3A_85 = vector.load %arg6[%get3A_83, %get3A_84] : memref<1x16xf32, #tpu.memory_space<vmem>>, vector<1x16xf32>
      %add3A_86 = vector.broadcast %get3A_85 : vector<1x16xf32> to vector<4x16xf32>
      %add3A_87 = arith.addf %dot_general3A_82, %add3A_86 : vector<4x16xf32>
      %iota3A = tpu.iota {dimensions = array<i32: 1>} : vector<4x16xi32>
      %reduce_max3A = arith.constant dense<0xFF800000> : vector<4xf32>
      %reduce_max3A_88 = vector.multi_reduction <maximumf>, %add3A_87, %reduce_max3A [1] : vector<4x16xf32> to vector<4xf32>
      %argmax3A = tpu.reduce_index %add3A_87 {axis = 1 : i32, kind = #tpu.reduction_kind<arg_max>} : vector<4x16xf32> -> vector<4xi32>
      %broadcast_in_dim3A = vector.shape_cast %argmax3A : vector<4xi32> to vector<4x1xi32>
      %eq3A_89 = vector.broadcast %broadcast_in_dim3A : vector<4x1xi32> to vector<4x16xi32>
      %eq3A_90 = arith.cmpi eq, %iota3A, %eq3A_89 : vector<4x16xi32>
      %jit3A = arith.constant 0xFF800000 : f32
      %broadcast_in_dim3A_91 = vector.broadcast %jit3A : f32 to vector<4x16xf32>
      %select_n3A = arith.select %eq3A_90, %broadcast_in_dim3A_91, %add3A_87 : vector<4x16xi1>, vector<4x16xf32>
      %reduce_max3A_92 = arith.constant dense<0xFF800000> : vector<4xf32>
      %reduce_max3A_93 = vector.multi_reduction <maximumf>, %select_n3A, %reduce_max3A_92 [1] : vector<4x16xf32> to vector<4xf32>
      %argmax3A_94 = tpu.reduce_index %select_n3A {axis = 1 : i32, kind = #tpu.reduction_kind<arg_max>} : vector<4x16xf32> -> vector<4xi32>
      %sub3A = arith.subf %reduce_max3A_93, %reduce_max3A_88 : vector<4xf32>
      %exp3A = math.exp %sub3A : vector<4xf32>
      %add3A_95 = arith.constant 1.000000e+00 : f32
      %add3A_96 = vector.broadcast %add3A_95 : f32 to vector<4xf32>
      %add3A_97 = arith.addf %add3A_96, %exp3A : vector<4xf32>
      %div3A = arith.constant 1.000000e+00 : f32
      %div3A_98 = vector.broadcast %div3A : f32 to vector<4xf32>
      %div3A_99 = arith.divf %div3A_98, %add3A_97 : vector<4xf32>
      %div3A_100 = arith.divf %exp3A, %add3A_97 : vector<4xf32>
      %iota3A_101 = tpu.iota {dimensions = array<i32: 1>} : vector<4x2xi32>
      %eq3A_102 = arith.constant 0 : i32
      %eq3A_103 = vector.broadcast %eq3A_102 : i32 to vector<4x2xi32>
      %eq3A_104 = arith.cmpi eq, %iota3A_101, %eq3A_103 : vector<4x2xi32>
      %broadcast_in_dim3A_105 = vector.shape_cast %div3A_99 : vector<4xf32> to vector<4x1xf32>
      %broadcast_in_dim3A_106 = vector.shape_cast %div3A_100 : vector<4xf32> to vector<4x1xf32>
      %broadcast_in_dim3A_107 = vector.shape_cast %broadcast_in_dim3A_105 : vector<4x1xf32> to vector<4x1xf32>
      %broadcast_in_dim3A_108 = vector.broadcast %broadcast_in_dim3A_107 : vector<4x1xf32> to vector<4x2xf32>
      %broadcast_in_dim3A_109 = vector.shape_cast %broadcast_in_dim3A_106 : vector<4x1xf32> to vector<4x1xf32>
      %broadcast_in_dim3A_110 = vector.broadcast %broadcast_in_dim3A_109 : vector<4x1xf32> to vector<4x2xf32>
      %select_n3A_111 = arith.select %eq3A_104, %broadcast_in_dim3A_108, %broadcast_in_dim3A_110 : vector<4x2xi1>, vector<4x2xf32>
      %swap3A_112 = arith.constant 0 : index
      %swap3A_113 = arith.constant 0 : index
      %swap3A_114 = vector.load %arg7[%swap3A_112, %swap3A_113] : memref<4x2xf32, #tpu.memory_space<vmem>>, vector<4x2xf32>
      tpu.vector_store %arg7[%swap3A_112, %swap3A_113], %select_n3A_111 {strides = array<i32>} : memref<4x2xf32, #tpu.memory_space<vmem>>, vector<4x2xf32>,
      %eq3A_115 = arith.constant 0 : i32
      %eq3A_116 = vector.broadcast %eq3A_115 : i32 to vector<4x2xi32>
      %eq3A_117 = arith.cmpi eq, %iota3A_101, %eq3A_116 : vector<4x2xi32>
      %broadcast_in_dim3A_118 = vector.shape_cast %argmax3A : vector<4xi32> to vector<4x1xi32>
      %broadcast_in_dim3A_119 = vector.shape_cast %argmax3A_94 : vector<4xi32> to vector<4x1xi32>
      %broadcast_in_dim3A_120 = vector.shape_cast %broadcast_in_dim3A_118 : vector<4x1xi32> to vector<4x1xi32>
      %broadcast_in_dim3A_121 = vector.broadcast %broadcast_in_dim3A_120 : vector<4x1xi32> to vector<4x2xi32>
      %broadcast_in_dim3A_122 = vector.shape_cast %broadcast_in_dim3A_119 : vector<4x1xi32> to vector<4x1xi32>
      %broadcast_in_dim3A_123 = vector.broadcast %broadcast_in_dim3A_122 : vector<4x1xi32> to vector<4x2xi32>
      %select_n3A_124 = arith.select %eq3A_117, %broadcast_in_dim3A_121, %broadcast_in_dim3A_123 : vector<4x2xi1>, vector<4x2xi32>
      %swap3A_125 = arith.constant 0 : index
      %swap3A_126 = arith.constant 0 : index
      %swap3A_127 = vector.load %arg8[%swap3A_125, %swap3A_126] : memref<4x2xi32, #tpu.memory_space<vmem>>, vector<4x2xi32>
      tpu.vector_store %arg8[%swap3A_125, %swap3A_126], %select_n3A_124 {strides = array<i32>} : memref<4x2xi32, #tpu.memory_space<vmem>>, vector<4x2xi32>,
      %reduce_max3A_128 = arith.constant dense<0xFF800000> : vector<4xf32>
      %reduce_max3A_129 = vector.multi_reduction <maximumf>, %add3A_87, %reduce_max3A_128 [1] : vector<4x16xf32> to vector<4xf32>
      %max3A = arith.constant 0xFF800000 : f32
      %max3A_130 = vector.broadcast %max3A : f32 to vector<4xf32>
      %max3A_131 = arith.maximumf %max3A_130, %reduce_max3A_129 : vector<4xf32>
      %broadcast_in_dim3A_132 = vector.shape_cast %max3A_131 : vector<4xf32> to vector<4x1xf32>
      %sub3A_133 = vector.broadcast %broadcast_in_dim3A_132 : vector<4x1xf32> to vector<4x16xf32>
      %sub3A_134 = arith.subf %add3A_87, %sub3A_133 : vector<4x16xf32>
      %exp3A_135 = math.exp %sub3A_134 : vector<4x16xf32>
      %reduce_sum3A = arith.constant dense<0.000000e+00> : vector<4xf32>
      %reduce_sum3A_136 = vector.multi_reduction <add>, %exp3A_135, %reduce_sum3A [1] : vector<4x16xf32> to vector<4xf32>
      %broadcast_in_dim3A_137 = vector.shape_cast %reduce_sum3A_136 : vector<4xf32> to vector<4x1xf32>
      %div3A_138 = vector.broadcast %broadcast_in_dim3A_137 : vector<4x1xf32> to vector<4x16xf32>
      %div3A_139 = arith.divf %exp3A_135, %div3A_138 : vector<4x16xf32>
      %reduce_sum3A_140 = arith.constant dense<0.000000e+00> : vector<16xf32>
      %reduce_sum3A_141 = vector.multi_reduction <add>, %div3A_139, %reduce_sum3A_140 [0] : vector<4x16xf32> to vector<16xf32>
      %div3A_142 = arith.constant 4.000000e+00 : f32
      %div3A_143 = vector.broadcast %div3A_142 : f32 to vector<16xf32>
      %div3A_144 = arith.divf %reduce_sum3A_141, %div3A_143 : vector<16xf32>
      %broadcast_in_dim3A_145 = vector.shape_cast %argmax3A : vector<4xi32> to vector<4x1xi32>
      %eq3A_146 = vector.broadcast %broadcast_in_dim3A_145 : vector<4x1xi32> to vector<4x16xi32>
      %eq3A_147 = arith.cmpi eq, %iota3A, %eq3A_146 : vector<4x16xi32>
      %convert_element_type3A_148 = arith.extui %eq3A_147 : vector<4x16xi1> to vector<4x16xi32>
      %convert_element_type3A_149 = arith.sitofp %convert_element_type3A_148 : vector<4x16xi32> to vector<4x16xf32>
      %broadcast_in_dim3A_150 = vector.shape_cast %argmax3A_94 : vector<4xi32> to vector<4x1xi32>
      %eq3A_151 = vector.broadcast %broadcast_in_dim3A_150 : vector<4x1xi32> to vector<4x16xi32>
      %eq3A_152 = arith.cmpi eq, %iota3A, %eq3A_151 : vector<4x16xi32>
      %convert_element_type3A_153 = arith.extui %eq3A_152 : vector<4x16xi1> to vector<4x16xi32>
      %convert_element_type3A_154 = arith.sitofp %convert_element_type3A_153 : vector<4x16xi32> to vector<4x16xf32>
      %add3A_155 = arith.addf %convert_element_type3A_149, %convert_element_type3A_154 : vector<4x16xf32>
      %reduce_sum3A_156 = arith.constant dense<0.000000e+00> : vector<16xf32>
      %reduce_sum3A_157 = vector.multi_reduction <add>, %add3A_155, %reduce_sum3A_156 [0] : vector<4x16xf32> to vector<16xf32>
      %div3A_158 = arith.constant 8.000000e+00 : f32
      %div3A_159 = vector.broadcast %div3A_158 : f32 to vector<16xf32>
      %div3A_160 = arith.divf %reduce_sum3A_157, %div3A_159 : vector<16xf32>
      %mul3A_161 = arith.mulf %div3A_144, %div3A_160 : vector<16xf32>
      %reduce_sum3A_162 = vector.shape_cast %mul3A_161 : vector<16xf32> to vector<1x16xf32>
      %reduce_sum3A_163 = arith.constant dense<0.000000e+00> : vector<1xf32>
      %reduce_sum3A_164 = vector.multi_reduction <add>, %reduce_sum3A_162, %reduce_sum3A_163 [1] : vector<1x16xf32> to vector<1xf32>
      %reduce_sum3A_165 = vector.shape_cast %reduce_sum3A_164 : vector<1xf32> to vector<1x1xf32>
      %reduce_sum3A_166 = vector.extract %reduce_sum3A_165[0, 0] : f32 from vector<1x1xf32>
      %mul3A_167 = arith.constant 1.600000e-01 : f32
      %mul3A_168 = arith.mulf %mul3A_167, %reduce_sum3A_166 : f32
      %broadcast_in_dim3A_169 = vector.broadcast %mul3A_168 : f32 to vector<1x1xf32>
      %swap3A_170 = arith.constant 0 : index
      %swap3A_171 = arith.constant 0 : index
      %swap3A_172 = vector.load %arg9[%swap3A_170, %swap3A_171] : memref<1x1xf32, #tpu.memory_space<vmem>>, vector<1x1xf32>
      tpu.vector_store %arg9[%swap3A_170, %swap3A_171], %broadcast_in_dim3A_169 {strides = array<i32>} : memref<1x1xf32, #tpu.memory_space<vmem>>, vector<1x1xf32>,
    } else {
    }
    return
  }
  func.func @transform_0(%arg0: i32) -> (i32, i32) {
    %c0_i32 = arith.constant 0 : i32
    %c0_i32_0 = arith.constant 0 : i32
    %c0_i32_1 = arith.constant 0 : i32
    return %c0_i32, %c0_i32_0 : i32, i32
  }
  func.func @transform_1(%arg0: i32) -> (i32, i32, i32) {
    %c0_i32 = arith.constant 0 : i32
    %c0_i32_0 = arith.constant 0 : i32
    %c0_i32_1 = arith.constant 0 : i32
    return %c0_i32, %c0_i32_0, %arg0 : i32, i32, i32
  }
  func.func @transform_2(%arg0: i32) -> (i32, i32) {
    %add3A = arith.constant 6 : i32
    %add3A_0 = arith.addi %arg0, %add3A : i32
    %c0_i32 = arith.constant 0 : i32
    %c0_i32_1 = arith.constant 0 : i32
    return %add3A_0, %c0_i32 : i32, i32
  }
  func.func @transform_3(%arg0: i32) -> (i32, i32) {
    %c0_i32 = arith.constant 0 : i32
    %c0_i32_0 = arith.constant 0 : i32
    %c0_i32_1 = arith.constant 0 : i32
    return %c0_i32, %c0_i32_0 : i32, i32
  }
  func.func @transform_4(%arg0: i32) -> (i32, i32) {
    %c0_i32 = arith.constant 0 : i32
    %c0_i32_0 = arith.constant 0 : i32
    %c0_i32_1 = arith.constant 0 : i32
    return %c0_i32, %c0_i32_0 : i32, i32
  }
  func.func @transform_5(%arg0: i32) -> (i32, i32) {
    %c0_i32 = arith.constant 0 : i32
    %c0_i32_0 = arith.constant 0 : i32
    %c0_i32_1 = arith.constant 0 : i32
    return %c0_i32, %c0_i32_0 : i32, i32
  }
  func.func @transform_6(%arg0: i32) -> (i32, i32) {
    %c0_i32 = arith.constant 0 : i32
    %c0_i32_0 = arith.constant 0 : i32
    %c0_i32_1 = arith.constant 0 : i32
    return %c0_i32, %c0_i32_0 : i32, i32
  }
  func.func @transform_7(%arg0: i32) -> (i32, i32) {
    %c0_i32 = arith.constant 0 : i32
    %c0_i32_0 = arith.constant 0 : i32
    %c0_i32_1 = arith.constant 0 : i32
    return %c0_i32, %c0_i32_0 : i32, i32
  }
  func.func @transform_8(%arg0: i32) -> (i32, i32) {
    %c0_i32 = arith.constant 0 : i32
    %c0_i32_0 = arith.constant 0 : i32
    %c0_i32_1 = arith.constant 0 : i32
    return %c0_i32, %c0_i32_0 : i32, i32
  }
}

</mosaic_0001>

<sc_bundles>
// kernel: kernel.5.cloned.1.call-start
scs
__scs_entry_jumppad:
0x0: {  	(pc) =	sbr.rel $0x88, $3  }
0x1: {  	(tag) =	ssettag $0x0;
	lr =	simm.s32 $0x1  }
0x2: {  	[smem:$0x3F9C] =	sst lr;
	_ =	strace $0xD0000000  }
0x3: {  	_ = 	snop  }
0x4: {  	_ = 	snop  }
0x5: {  	_ = 	snop  }
0x6: {  	_ = 	snop  }
0x7: {  	_ = 	snop  }
__scs_overlays_trampoline_lowered:
0x8: {  	[smem:$0x3FAB] =	sst s0  }
0x9: {  	[smem:$0x3FAC] =	sst s1  }
0xa: {  	[smem:$0x3FAD] =	sst s2  }
0xb: {  	[smem:$0x3FAE] =	sst s3  }
0xc: {  	[smem:$0x3FAF] =	sst s4  }
0xd: {  	[smem:$0x3FB0] =	sst s5  }
0xe: {  	[smem:$0x3FB1] =	sst s6  }
0xf: {  	[smem:$0x3FB2] =	sst s7  }
0x10: {  	[smem:$0x3FB3] =	sst s8  }
0x11: {  	[smem:$0x3FB4] =	sst s9;
	s0 =	simm.s32 @!p0 $0x0  }
0x12: {  	s1 =	sld [smem:$0x3F9A];
	s0 =	simm.s32 @p0 $0x1  }
0x13: {  	[smem:$0x3FB5] =	sst s0;
	s0 =	simm.s32 @!p1 $0x0  }
0x14: {  	s2 =	sld [smem:$0x3F99];
	s0 =	simm.s32 @p1 $0x1  }
0x15: {  	[smem:$0x3FB6] =	sst s0;
	s0 =	simm.s32 @!p2 $0x0  }
0x16: {  	s3 =	sld [smem:$0x3FDB];
	s0 =	simm.s32 @p2 $0x1  }
0x17: {  	s4 =	simm.s32 $0x1BF5;
	[smem:$0x3FB8] =	sst s0  }
0x18: {  	s0 =	sld [smem:$0x3F9B];
	_ =	swait.ge [sflag:s4], $0x0  }
0x19: {  	s7 =	sld [smem:$0x3F9C]  }
0x1a: {  	s8 =	sadd.s32 $0xFFFFE003, lr  }
0x1b: {  	s9 =	sadd.s32 $0xFFFFFEF7, lr;
	s5 =	simm.s32 $0xFFFFFFFF;
	p2 =	slt.u32 s8, $0xFFFFF086  }
0x1c: {  	p1 =	slt.u32 s9, $0xF7A;
	s5 =	simm.s32 @!p2 $0x0  }
0x1d: {  	s5 =	simm.s32 @p1 $0x1;
	p0 =	seq.s32 s7, s2  }
0x1e: {  	s7 =	smul.u32 @!p0 $0xF7A, s2;
	p2 =	seq.s32 @!p0 s5, $0x0  }
0x1f: {  	s9 =	smul.u32 $0xF7A, s1;
	s8 =	simm.s32 @!p0 $0x1BF5;
	p2 =	por !p2, p0  }
0x20: {  	[sflag:s8] =	ssyncset.s32 @!p0 $0xFFFFF086;
	s6 =	sadd.s32 @!p0 s3, s7;
	s7 =	simm.s32 @!p0 $0x108  }
0x21: {  	s3 =	sadd.s32 s3, s9;
	s6 =	sadd.s32 @!p0 $0x88, s6;
	s7 =	simm.s32 @p2 $0x1082  }
0x22: {  	[simem:s7], [sflag:s8] =	dma.local @!p0 [hbm:s6], $0xF7A  }
0x23: {  	s9 =	sor.u32 $0xD0000000, s2;
	s6 =	simm.s32 $0x108;
	_ =	swait.ge @!p0 [sflag:s8], $0x0  }
0x24: {  	s3 =	sadd.s32 $0x88, s3;
	s6 =	simm.s32 @!p1 $0x1082;
	[sflag:s4] =	ssyncset.s32 $0xFFFFF086  }
0x25: {  	[simem:s6], [sflag:s4] =	dma.local [hbm:s3], $0xF7A  }
0x26: {  	[smem:$0x3F9C] =	sst s1;
	(tag) =	ssettag s2;
	_ =	strace s9  }
0x27: {  	s1 =	sld [smem:$0x3FAC]  }
0x28: {  	s2 =	sld [smem:$0x3FAD]  }
0x29: {  	s4 =	sld [smem:$0x3FAF]  }
0x2a: {  	p0 =	seq.s32 s5, $0x0;
	s5 =	sld [smem:$0x3FB0]  }
0x2b: {  	s6 =	sld [smem:$0x3FB1]  }
0x2c: {  	s7 =	sld [smem:$0x3FB2]  }
0x2d: {  	s3 =	simm.s32 $0x108;
	s8 =	sld [smem:$0x3FB3]  }
0x2e: {  	s3 =	simm.s32 @!p0 $0x1082;
	s9 =	sld [smem:$0x3FB4]  }
0x2f: {  	lr =	sadd.s32 s0, s3;
	s0 =	sld [smem:$0x3FAB]  }
0x30: {  	s3 =	sld [smem:$0x3FAE]  }
0x31: {  	[smem:$0x3FB7] =	sst s10  }
0x32: {  	s10 =	sld [smem:$0x3FB5];
	_ =	sdelay $0x3  }
0x33: {  	p0 =	seq.s32 s10, $0x1;
	s10 =	sld [smem:$0x3FB7];
	_ =	sdelay $0x3  }
0x34: {  	[smem:$0x3FB7] =	sst s10  }
0x35: {  	s10 =	sld [smem:$0x3FB6];
	_ =	sdelay $0x3  }
0x36: {  	p1 =	seq.s32 s10, $0x1;
	s10 =	sld [smem:$0x3FB7];
	_ =	sdelay $0x3  }
0x37: {  	[smem:$0x3FB7] =	sst s10  }
0x38: {  	s10 =	sld [smem:$0x3FB8]  }
0x39: {  	_ = 	snop;
	(pc) =	sbr.ind lr, $3  }
0x3a: {  	_ = 	snop  }
0x3b: {  	_ = 	snop  }
0x3c: {  	p2 =	seq.s32 s10, $0x1;
	s10 =	sld [smem:$0x3FB7]  }
0x3d: {  	_ =	shalt  }
0x3e: {  	_ =	shalt  }
0x3f: {  	_ =	shalt  }
0x40: {  	_ =	shalt  }
0x41: {  	_ =	shalt  }
0x42: {  	_ =	shalt  }
0x43: {  	_ =	shalt  }
0x44: {  	_ =	shalt  }
0x45: {  	_ =	shalt  }
0x46: {  	_ =	shalt  }
0x47: {  	_ =	shalt  }
0x48: {  	_ =	shalt  }
0x49: {  	_ =	shalt  }
0x4a: {  	_ =	shalt  }
0x4b: {  	_ =	shalt  }
0x4c: {  	_ =	shalt  }
0x4d: {  	_ =	shalt  }
0x4e: {  	_ =	shalt  }
0x4f: {  	_ =	shalt  }
0x50: {  	_ =	shalt  }
0x51: {  	_ =	shalt  }
0x52: {  	_ =	shalt  }
0x53: {  	_ =	shalt  }
0x54: {  	_ =	shalt  }
0x55: {  	_ =	shalt  }
0x56: {  	_ =	shalt  }
0x57: {  	_ =	shalt  }
0x58: {  	_ =	shalt  }
0x59: {  	_ =	shalt  }
0x5a: {  	_ =	shalt  }
0x5b: {  	_ =	shalt  }
0x5c: {  	_ =	shalt  }
0x5d: {  	_ =	shalt  }
0x5e: {  	_ =	shalt  }
0x5f: {  	_ =	shalt  }
0x60: {  	_ =	shalt  }
0x61: {  	_ =	shalt  }
0x62: {  	_ =	shalt  }
0x63: {  	_ =	shalt  }
0x64: {  	_ =	shalt  }
0x65: {  	_ =	shalt  }
0x66: {  	_ =	shalt  }
0x67: {  	_ =	shalt  }
0x68: {  	_ =	shalt  }
0x69: {  	_ =	shalt  }
0x6a: {  	_ =	shalt  }
0x6b: {  	_ =	shalt  }
0x6c: {  	_ =	shalt  }
0x6d: {  	_ =	shalt  }
0x6e: {  	_ =	shalt  }
0x6f: {  	_ =	shalt  }
0x70: {  	_ =	shalt  }
0x71: {  	_ =	shalt  }
0x72: {  	_ =	shalt  }
0x73: {  	_ =	shalt  }
0x74: {  	_ =	shalt  }
0x75: {  	_ =	shalt  }
0x76: {  	_ =	shalt  }
0x77: {  	_ =	shalt  }
0x78: {  	_ =	shalt  }
0x79: {  	_ =	shalt  }
0x7a: {  	_ =	shalt  }
0x7b: {  	_ =	shalt  }
0x7c: {  	_ =	shalt  }
0x7d: {  	_ =	shalt  }
0x7e: {  	_ =	shalt  }
0x7f: {  	_ =	shalt  }
0x80: {  	_ =	shalt  }
0x81: {  	_ =	shalt  }
0x82: {  	_ =	shalt  }
0x83: {  	_ =	shalt  }
0x84: {  	_ =	shalt  }
0x85: {  	_ =	shalt  }
0x86: {  	_ =	shalt  }
0x87: {  	_ =	shalt  }
.Lfunc_end0:
.L_simem_size_0:
called_computation_lowered:
.L_overlay_start_0:
0x88: {  	s2 =	sld [smem:$0x3FD9]  }
0x89: {  	s3 =	sld [smem:$0x3FFE];
	_ =	sdelay $0x1  }
0x8a: {  	s1 =	srdreg.scid  }
0x8b: {  	s0 =	sand.u32 $0x1, s1  }
0x8c: {  	s17 =	sshll.u32 s0, $0xA;
	s2 =	sadd.s32 s3, s2  }
0x8d: {  	s2 =	sadd.s32 s2, s17  }
0x8e: {  	[smem:$0x3FC3] =	sst s2  }
0x8f: {  	_ = 	snop  }
0x90: {  	s2 =	sld [smem:$0x3FC9];
	(tm) =	ssettm $0x1  }
0x91: {  	s18 =	sld [smem:$0x3FFB];
	_ =	sdelay $0x3  }
0x92: {  	_ =	strace s18  }
0x93: {  	s3 =	sld [smem:$0x3FFC];
	_ =	sdelay $0x3  }
0x94: {  	_ =	strace s3  }
0x95: {  	s3 =	sld [smem:$0x3FFD];
	_ =	sdelay $0x3  }
0x96: {  	_ =	strace s3  }
0x97: {  	_ =	strace $0x8FFFFFFF  }
0x98: {  	s19 =	sld [smem:$0x3FDB];
	_ =	sdelay $0x1  }
0x99: {  	s4 =	simm.s32 $_scs_section_size  }
0x9a: {  	s5 =	simm.s32 $_size__tile_overlayer_lowered;
	s6 =	simm.s32 $_tile_overlayer_lowered  }
0x9b: {  	s22 =	simm.s32 $0x1BFF;
	s21 =	sshll.u32 s6, $0x1;
	s3 =	sadd.s32 s4, s19  }
0x9c: {  	s7 =	simm.s32 $0x0;
	s20 =	sshll.u32 s5, $0x1;
	s5 =	sadd.s32 s21, s3  }
0x9d: {  	[timem:s7], [sflag:s22] =	dma.local [hbm:s5], s20  }
0x9e: {  	_ =	swait.ge [sflag:s22], s20  }
0x9f: {  	s4 =	ssub.s32 $0x0, s20;
	[sflag:s22] =	ssyncset.done $0x0  }
0xa0: {  	[sflag:s22] =	ssyncadd.s32 s4;
	_ =	sdelay $0x1  }
0xa1: {  	s23 =	simm.s32 $0x1B8B  }
0xa2: {  	_ =	swait.ge [sflag:s23], $0x1  }
0xa3: {  	[sflag:s23] =	ssyncset.done $0x0  }
0xa4: {  	s25 =	simm.s32 $0x1B8E;
	s24 =	sld [smem:$0x3FFE];
	[sflag:s23] =	ssyncadd.s32 $0xFFFFFFFF  }
0xa5: {  	s26 =	simm.s32 $execute0_lowered;
	[smem:$0x3FD2] =	sst s25  }
0xa6: {  	s5 =	sshll.u32 s26, $0x1;
	_ =	strace $0x80000046;
	[dreg:$0x1] =	wrdreg $0xFFFFFFFF  }
0xa7: {  	s28 =	simm.s32 $_size_execute0_lowered;
	s3 =	sadd.s32 s3, s5;
	[dreg:$0x0] =	wrdreg $0x0  }
0xa8: {  	s5 =	sshll.u32 s28, $0x1;
	[dreg:$0x2] =	wrdreg s3  }
0xa9: {  	[dreg:$0x3] =	wrdreg s5  }
0xaa: {  	[dreg:$0x4] =	wrdreg $0xC0  }
0xab: {  	_ =	task [dreg:s7], $0x5FFFF  }
0xac: {  	[dreg:$0x1] =	wrdreg $0xFFFFFFFF  }
0xad: {  	[dreg:$0x0] =	wrdreg $0x60  }
0xae: {  	[dreg:$0x2] =	wrdreg s2  }
0xaf: {  	[dreg:$0x3] =	wrdreg s24  }
0xb0: {  	[dreg:$0x4] =	wrdreg $0x9  }
0xb1: {  	_ =	task.clear_ibuf [dreg:s7], $0x5FFFF;
	_ =	strace $0x90000046  }
0xb2: {  	s29 =	simm.s32 $0x9;
	_ =	strace $0x80000048  }
0xb3: {  	_ =	swait.ge [sflag:s29], $0x1  }
0xb4: {  	[sflag:s29] =	ssyncadd.s32 $0xFFFFFFFF  }
0xb5: {  	_ =	strace $0x90000048  }
0xb6: {  	_ =	sfence  }
0xb7: {  	s30 =	sld [smem:$0x0];
	_ =	sdelay $0x2  }
0xb8: {  	s31 =	sshll.u32 s1, $0xD;
	s1 =	sshrl.u32 s1, $0x2  }
0xb9: {  	s3 =	sand.u32 $0x4000, s31;
	s1 =	sadd.s32 s1, s30  }
0xba: {  	s0 =	sor.u32 s3, s0;
	s1 =	sshll.u32 s1, $0x11  }
0xbb: {  	s0 =	sor.u32 s1, s0  }
0xbc: {  	s0 =	sadd.s32 $0x8F2B, s0  }
0xbd: {  	[sflag:s0] =	ssyncadd.remote.s32 $0x1  }
0xbe: {  	_ =	sfence.sel $0xFFFF  }
0xbf: {  	[dreg:$0x0] =	wrdreg $0xFFFFFFFF;
	(pc) =	sbr.abs _section_cstart, $3  }
0xc0: {  	[dreg:$0x1] =	wrdreg $0xFFFFFFFF  }
0xc1: {  	_ =	task.clear_ibuf [dreg:s7], $0x2FFFF;
	_ =	strace $0x9FFFFFFF  }
0xc2: {  	(tm) =	ssettm $0x7FFFFFFF  }
0xc3: {  	_ =	shalt  }
tec
execute0_lowered:
.L_overlay_start_1:
0x0: {  	(tag) =	ssettag $0x1  }
0x1: {  	s3 =	rddreg [dreg:$0x0]  }
0x2: {  	s4 =	rddreg [dreg:$0x1]  }
0x3: {  	s0 =	rddreg [dreg:$0x2];
	s2 =	simm.s32 $0x0;
	s1 =	stileid.u32  }
0x4: {  	s5 =	srdreg.scid;
	s10 =	simm.s32 $0x4000;
	s11 =	simm.s32 $0x8000  }
0x5: {  	s12 =	simm.s32 $0x1;
	s13 =	simm.s32 $0x2;
	s14 =	simm.s32 $0x10000  }
0x6: {  	s15 =	simm.s32 $0x3;
	s16 =	simm.s32 $0x0;
	[smem:$0x7FF] =	sst s2  }
0x7: {  	s6 =	sshll.u32 s1, $0x1;
	s7 =	sshrl.u32 s1, $0x1;
	s5 =	sand.u32 $0x1, s5  }
0x8: {  	s6 =	sand.u32 $0x2, s6;
	_ =	strace $0x80000047;
	s8 =	sshll.u32 s7, $0x8  }
0x9: {  	s7 =	sshll.u32 s7, $0x10;
	s6 =	sor.u32 s5, s6;
	s5 =	ssub.s32 $0x2, s5  }
0xa: {  	s8 =	sadd.s32 s8, s4;
	s9 =	sshll.u32 s6, $0x7;
	s26 =	sshrl.u32 s5, $0x1  }
0xb: {  	s29 =	sshll.u32 s6, $0x6;
	s7 =	sor.u32 s7, s9;
	s28 =	ssub.s32 s5, s26  }
0xc: {  	s31 =	sadd.s32 s29, s8;
	s9 =	simm.s32 $0x400;
	s30 =	sadd.s32 s7, s3  }
0xd: {  	s7 =	sadd.s32 $0x1200, s31;
	s8 =	smax.u32 s28, $0x1;
	s4 =	sadd.s32 $0x100600, s30  }
0xe: {  	s3 =	sadd.s32 $0x600, s30;
	s5 =	sadd.s32 $0x80600, s30;
	s6 =	sadd.s32 $0x180600, s30  }
.LBB2_1:
0xf: {  	[tilespmem:s2], [sflag:$0x1] =	stream.strided.gather [hbm4b:s3+s9], $0x8000, s10, s9, $0x38;
	[tilespmem:$0x10200] =	vst v63  }
0x10: {  	_ = 	snop  }
0x11: {  	[tilespmem:s11], [sflag:$0x2] =	stream.strided.gather [hbm4b:s5+s9], $0x8000, s10, s9, $0x38;
	[tilespmem:$0x10200] =	vst v63  }
0x12: {  	_ =	swait.ge [sflag:s12], $0x8000  }
0x13: {  	[sflag:s12] =	ssyncset.done $0x0  }
0x14: {  	s19 =	simm.s32 $0x0;
	[sflag:s12] =	ssyncadd.s32 $0xFFFF8000  }
0x15: {  	v0 =	vld [tilespmem:s19+$0x70]  }
0x16: {  	v2 =	vld [tilespmem:s19+$0x0]  }
0x17: {  	v3 =	vld [tilespmem:s19+$0x10]  }
0x18: {  	v11 =	vld [tilespmem:s19+$0x20]  }
0x19: {  	v10 =	vld [tilespmem:s19+$0x30]  }
0x1a: {  	v1 =	vimm.f32 $0.0e+00;
	v6 =	vimm.f32 $0.0e+00;
	v7 =	vld [tilespmem:s19+$0x40]  }
0x1b: {  	v8 =	vimm.f32 $0.0e+00;
	v4 =	vimm.f32 $0.0e+00;
	v9 =	vld [tilespmem:s19+$0x50];
	v0 =	vadd.f32 v0, v1  }
0x1c: {  	s17 =	simm.s32 $0x80;
	s18 =	simm.s32 $0x400;
	v12 =	vld [tilespmem:s19+$0x60];
	v5 =	vadd.f32 v2, v1;
	v3 =	vadd.f32 v3, v1;
	v2 =	vimm.f32 $0.0e+00  }
.LBB2_2:
0x1d: {  	p0 =	sne.s32 s18, $0x1FE00;
	v13 =	vld [tilespmem:s17+$0x70];
	v1 =	vadd.f32 v11, v1  }
0x1e: {  	v14 =	vld [tilespmem:s17+$0x0];
	v6 =	vadd.f32 v10, v6  }
0x1f: {  	v15 =	vld [tilespmem:s17+$0x10];
	v8 =	vadd.f32 v7, v8  }
.Ltmp0:
0x20: {  	v11 =	vld [tilespmem:s17+$0x20];
	v4 =	vadd.f32 v9, v4;
	(pc) =	sbr.rel @p0 .LBB2_2-.Ltmp0, $4  }
0x21: {  	v10 =	vld [tilespmem:s17+$0x30];
	v2 =	vadd.f32 v12, v2  }
0x22: {  	v7 =	vld [tilespmem:s17+$0x40];
	v0 =	vadd.f32 v13, v0  }
0x23: {  	v5 =	vadd.f32 v14, v5;
	v9 =	vld [tilespmem:s17+$0x50]  }
0x24: {  	v3 =	vadd.f32 v15, v3;
	v12 =	vld [tilespmem:s17+$0x60];
	s17 =	sshra.s32 s18, $0x2;
	s18 =	sadd.s32 $0x200, s18  }
0x25: {  	v14 =	vld [tilespmem:s17+$0x0]  }
0x26: {  	v15 =	vld [tilespmem:s17+$0x10]  }
0x27: {  	v16 =	vld [tilespmem:s17+$0x20]  }
0x28: {  	v13 =	vld [tilespmem:s17+$0x70]  }
0x29: {  	v6 =	vadd.f32 v10, v6;
	v10 =	vld [tilespmem:s17+$0x60]  }
0x2a: {  	v17 =	vld [tilespmem:s17+$0x30];
	v1 =	vadd.f32 v11, v1;
	v5 =	vadd.f32 v14, v5  }
0x2b: {  	v18 =	vld [tilespmem:s17+$0x40];
	v3 =	vadd.f32 v15, v3  }
0x2c: {  	v11 =	vld [tilespmem:s17+$0x50];
	v2 =	vadd.f32 v12, v2;
	v1 =	vadd.f32 v16, v1;
	[tilespmem:$0x10000] =	vst v5  }
0x2d: {  	v0 =	vadd.f32 v13, v0;
	[tilespmem:$0x10010] =	vst v3  }
0x2e: {  	v7 =	vadd.f32 v7, v8;
	v2 =	vadd.f32 v10, v2;
	[tilespmem:$0x10020] =	vst v1  }
0x2f: {  	v4 =	vadd.f32 v9, v4;
	v5 =	vadd.f32 v17, v6;
	[tilespmem:$0x10070] =	vst v0  }
0x30: {  	v3 =	vadd.f32 v18, v7;
	[tilespmem:$0x10060] =	vst v2  }
0x31: {  	v1 =	vadd.f32 v11, v4;
	[tilespmem:$0x10030] =	vst v5  }
0x32: {  	[tilespmem:$0x10040] =	vst v3  }
0x33: {  	s31 =	simm.s32 $0x0;
	[tilespmem:$0x10050] =	vst v1  }
0x34: {  	[tilespmem:s31], [sflag:$0x1] =	stream.strided.gather [hbm4b:s4+s9], $0x8000, s10, s9, $0x38;
	[tilespmem:$0x10200] =	vst v63  }
0x35: {  	_ =	swait.ge [sflag:s13], $0x8000  }
0x36: {  	[sflag:s13] =	ssyncset.done $0x0  }
0x37: {  	s19 =	simm.s32 $0x0;
	[sflag:s13] =	ssyncadd.s32 $0xFFFF8000  }
0x38: {  	v0 =	vld [tilespmem:s19+$0x8070]  }
0x39: {  	v2 =	vld [tilespmem:s19+$0x8000]  }
0x3a: {  	v3 =	vld [tilespmem:s19+$0x8010]  }
0x3b: {  	v11 =	vld [tilespmem:s19+$0x8020]  }
0x3c: {  	v10 =	vld [tilespmem:s19+$0x8030]  }
0x3d: {  	v8 =	vimm.f32 $0.0e+00;
	v1 =	vimm.f32 $0.0e+00;
	v7 =	vld [tilespmem:s19+$0x8040]  }
0x3e: {  	v6 =	vimm.f32 $0.0e+00;
	v4 =	vimm.f32 $0.0e+00;
	v9 =	vld [tilespmem:s19+$0x8050];
	v0 =	vadd.f32 v0, v1  }
0x3f: {  	s18 =	simm.s32 $0x400;
	s17 =	simm.s32 $0x80;
	v12 =	vld [tilespmem:s19+$0x8060];
	v5 =	vadd.f32 v2, v1;
	v3 =	vadd.f32 v3, v1;
	v2 =	vimm.f32 $0.0e+00  }
.LBB2_4:
0x40: {  	p0 =	sne.s32 s18, $0x1FE00;
	v13 =	vld [tilespmem:s17+$0x8070];
	v1 =	vadd.f32 v11, v1  }
0x41: {  	v14 =	vld [tilespmem:s17+$0x8000];
	v6 =	vadd.f32 v10, v6  }
0x42: {  	v15 =	vld [tilespmem:s17+$0x8010];
	v8 =	vadd.f32 v7, v8  }
.Ltmp1:
0x43: {  	v11 =	vld [tilespmem:s17+$0x8020];
	v4 =	vadd.f32 v9, v4;
	(pc) =	sbr.rel @p0 .LBB2_4-.Ltmp1, $4  }
0x44: {  	v10 =	vld [tilespmem:s17+$0x8030];
	v2 =	vadd.f32 v12, v2  }
0x45: {  	v7 =	vld [tilespmem:s17+$0x8040];
	v0 =	vadd.f32 v13, v0  }
0x46: {  	v5 =	vadd.f32 v14, v5;
	v9 =	vld [tilespmem:s17+$0x8050]  }
0x47: {  	v3 =	vadd.f32 v15, v3;
	v12 =	vld [tilespmem:s17+$0x8060];
	s17 =	sshra.s32 s18, $0x2;
	s18 =	sadd.s32 $0x200, s18  }
0x48: {  	v14 =	vld [tilespmem:s17+$0x8000]  }
0x49: {  	v15 =	vld [tilespmem:s17+$0x8010]  }
0x4a: {  	v16 =	vld [tilespmem:s17+$0x8020]  }
0x4b: {  	v13 =	vld [tilespmem:s17+$0x8070]  }
0x4c: {  	v6 =	vadd.f32 v10, v6;
	v10 =	vld [tilespmem:s17+$0x8060]  }
0x4d: {  	v17 =	vld [tilespmem:s17+$0x8030];
	v1 =	vadd.f32 v11, v1;
	v5 =	vadd.f32 v14, v5  }
0x4e: {  	v18 =	vld [tilespmem:s17+$0x8040];
	v3 =	vadd.f32 v15, v3  }
0x4f: {  	v11 =	vld [tilespmem:s17+$0x8050];
	v2 =	vadd.f32 v12, v2;
	v1 =	vadd.f32 v16, v1;
	[tilespmem:$0x10080] =	vst v5  }
0x50: {  	v0 =	vadd.f32 v13, v0;
	[tilespmem:$0x10090] =	vst v3  }
0x51: {  	v7 =	vadd.f32 v7, v8;
	v2 =	vadd.f32 v10, v2;
	[tilespmem:$0x100A0] =	vst v1  }
0x52: {  	v4 =	vadd.f32 v9, v4;
	v5 =	vadd.f32 v17, v6;
	[tilespmem:$0x100F0] =	vst v0  }
0x53: {  	v3 =	vadd.f32 v18, v7;
	[tilespmem:$0x100E0] =	vst v2  }
0x54: {  	v1 =	vadd.f32 v11, v4;
	[tilespmem:$0x100B0] =	vst v5  }
0x55: {  	[tilespmem:$0x100C0] =	vst v3  }
0x56: {  	[tilespmem:$0x100D0] =	vst v1  }
0x57: {  	[tilespmem:s11], [sflag:$0x2] =	stream.strided.gather [hbm4b:s6+s9], $0x8000, s10, s9, $0x38;
	[tilespmem:$0x10200] =	vst v63  }
0x58: {  	_ =	swait.ge [sflag:s12], $0x8000  }
0x59: {  	[sflag:s12] =	ssyncset.done $0x0  }
0x5a: {  	s19 =	simm.s32 $0x0;
	[sflag:s12] =	ssyncadd.s32 $0xFFFF8000  }
0x5b: {  	v0 =	vld [tilespmem:s19+$0x70]  }
0x5c: {  	v2 =	vld [tilespmem:s19+$0x0]  }
0x5d: {  	v3 =	vld [tilespmem:s19+$0x10]  }
0x5e: {  	v11 =	vld [tilespmem:s19+$0x20]  }
0x5f: {  	v10 =	vld [tilespmem:s19+$0x30]  }
0x60: {  	v8 =	vimm.f32 $0.0e+00;
	v1 =	vimm.f32 $0.0e+00;
	v7 =	vld [tilespmem:s19+$0x40]  }
0x61: {  	v6 =	vimm.f32 $0.0e+00;
	v4 =	vimm.f32 $0.0e+00;
	v9 =	vld [tilespmem:s19+$0x50];
	v0 =	vadd.f32 v0, v1  }
0x62: {  	s18 =	simm.s32 $0x400;
	s17 =	simm.s32 $0x80;
	v12 =	vld [tilespmem:s19+$0x60];
	v5 =	vadd.f32 v2, v1;
	v3 =	vadd.f32 v3, v1;
	v2 =	vimm.f32 $0.0e+00  }
.LBB2_6:
0x63: {  	p0 =	sne.s32 s18, $0x1FE00;
	v13 =	vld [tilespmem:s17+$0x70];
	v1 =	vadd.f32 v11, v1  }
0x64: {  	v14 =	vld [tilespmem:s17+$0x0];
	v6 =	vadd.f32 v10, v6  }
0x65: {  	v15 =	vld [tilespmem:s17+$0x10];
	v8 =	vadd.f32 v7, v8  }
.Ltmp2:
0x66: {  	v11 =	vld [tilespmem:s17+$0x20];
	v4 =	vadd.f32 v9, v4;
	(pc) =	sbr.rel @p0 .LBB2_6-.Ltmp2, $4  }
0x67: {  	v10 =	vld [tilespmem:s17+$0x30];
	v2 =	vadd.f32 v12, v2  }
0x68: {  	v7 =	vld [tilespmem:s17+$0x40];
	v0 =	vadd.f32 v13, v0  }
0x69: {  	v5 =	vadd.f32 v14, v5;
	v9 =	vld [tilespmem:s17+$0x50]  }
0x6a: {  	v3 =	vadd.f32 v15, v3;
	v12 =	vld [tilespmem:s17+$0x60];
	s17 =	sshra.s32 s18, $0x2;
	s18 =	sadd.s32 $0x200, s18  }
0x6b: {  	v14 =	vld [tilespmem:s17+$0x0]  }
0x6c: {  	v15 =	vld [tilespmem:s17+$0x10]  }
0x6d: {  	v16 =	vld [tilespmem:s17+$0x20]  }
0x6e: {  	v13 =	vld [tilespmem:s17+$0x70]  }
0x6f: {  	v6 =	vadd.f32 v10, v6;
	v10 =	vld [tilespmem:s17+$0x60]  }
0x70: {  	v17 =	vld [tilespmem:s17+$0x30];
	v1 =	vadd.f32 v11, v1;
	v5 =	vadd.f32 v14, v5  }
0x71: {  	v18 =	vld [tilespmem:s17+$0x40];
	v3 =	vadd.f32 v15, v3  }
0x72: {  	v11 =	vld [tilespmem:s17+$0x50];
	v2 =	vadd.f32 v12, v2;
	v1 =	vadd.f32 v16, v1;
	[tilespmem:$0x10100] =	vst v5  }
0x73: {  	v0 =	vadd.f32 v13, v0;
	[tilespmem:$0x10110] =	vst v3  }
0x74: {  	v7 =	vadd.f32 v7, v8;
	v2 =	vadd.f32 v10, v2;
	[tilespmem:$0x10120] =	vst v1  }
0x75: {  	v4 =	vadd.f32 v9, v4;
	v5 =	vadd.f32 v17, v6;
	[tilespmem:$0x10170] =	vst v0  }
0x76: {  	v3 =	vadd.f32 v18, v7;
	[tilespmem:$0x10160] =	vst v2  }
0x77: {  	v1 =	vadd.f32 v11, v4;
	[tilespmem:$0x10130] =	vst v5  }
0x78: {  	[tilespmem:$0x10140] =	vst v3  }
0x79: {  	[tilespmem:$0x10150] =	vst v1  }
0x7a: {  	_ =	swait.ge [sflag:s13], $0x8000  }
0x7b: {  	[sflag:s13] =	ssyncset.done $0x0  }
0x7c: {  	s19 =	simm.s32 $0x0;
	[sflag:s13] =	ssyncadd.s32 $0xFFFF8000  }
0x7d: {  	v0 =	vld [tilespmem:s19+$0x8070]  }
0x7e: {  	v2 =	vld [tilespmem:s19+$0x8000]  }
0x7f: {  	v3 =	vld [tilespmem:s19+$0x8010]  }
0x80: {  	v11 =	vld [tilespmem:s19+$0x8020]  }
0x81: {  	v10 =	vld [tilespmem:s19+$0x8030]  }
0x82: {  	v8 =	vimm.f32 $0.0e+00;
	v1 =	vimm.f32 $0.0e+00;
	v7 =	vld [tilespmem:s19+$0x8040]  }
0x83: {  	v6 =	vimm.f32 $0.0e+00;
	v4 =	vimm.f32 $0.0e+00;
	v9 =	vld [tilespmem:s19+$0x8050];
	v0 =	vadd.f32 v0, v1  }
0x84: {  	s18 =	simm.s32 $0x400;
	s17 =	simm.s32 $0x80;
	v12 =	vld [tilespmem:s19+$0x8060];
	v5 =	vadd.f32 v2, v1;
	v3 =	vadd.f32 v3, v1;
	v2 =	vimm.f32 $0.0e+00  }
.LBB2_8:
0x85: {  	p0 =	sne.s32 s18, $0x1FE00;
	v13 =	vld [tilespmem:s17+$0x8070];
	v1 =	vadd.f32 v11, v1  }
0x86: {  	v14 =	vld [tilespmem:s17+$0x8000];
	v6 =	vadd.f32 v10, v6  }
0x87: {  	v15 =	vld [tilespmem:s17+$0x8010];
	v8 =	vadd.f32 v7, v8  }
.Ltmp3:
0x88: {  	v11 =	vld [tilespmem:s17+$0x8020];
	v4 =	vadd.f32 v9, v4;
	(pc) =	sbr.rel @p0 .LBB2_8-.Ltmp3, $4  }
0x89: {  	v10 =	vld [tilespmem:s17+$0x8030];
	v2 =	vadd.f32 v12, v2  }
0x8a: {  	v7 =	vld [tilespmem:s17+$0x8040];
	v0 =	vadd.f32 v13, v0  }
0x8b: {  	v5 =	vadd.f32 v14, v5;
	v9 =	vld [tilespmem:s17+$0x8050]  }
0x8c: {  	v3 =	vadd.f32 v15, v3;
	v12 =	vld [tilespmem:s17+$0x8060];
	s17 =	sshra.s32 s18, $0x2;
	s18 =	sadd.s32 $0x200, s18  }
0x8d: {  	v14 =	vld [tilespmem:s17+$0x8000]  }
0x8e: {  	v15 =	vld [tilespmem:s17+$0x8010]  }
0x8f: {  	v16 =	vld [tilespmem:s17+$0x8020]  }
0x90: {  	v17 =	vld [tilespmem:s17+$0x8030]  }
0x91: {  	v18 =	vld [tilespmem:s17+$0x8040]  }
0x92: {  	v1 =	vadd.f32 v11, v1;
	v59 =	vld [tilespmem:s17+$0x8050];
	v5 =	vadd.f32 v14, v5  }
0x93: {  	v13 =	vld [tilespmem:s17+$0x8070];
	v6 =	vadd.f32 v10, v6;
	v3 =	vadd.f32 v15, v3  }
0x94: {  	v60 =	vld [tilespmem:s17+$0x8060];
	v7 =	vadd.f32 v7, v8;
	v1 =	vadd.f32 v16, v1;
	[tilespmem:$0x10180] =	vst v5  }
0x95: {  	v4 =	vadd.f32 v9, v4;
	v61 =	vadd.f32 v17, v6;
	[tilespmem:$0x10190] =	vst v3  }
0x96: {  	v62 =	vadd.f32 v18, v7;
	[tilespmem:$0x101A0] =	vst v1  }
0x97: {  	v2 =	vadd.f32 v12, v2;
	v63 =	vadd.f32 v59, v4;
	[tilespmem:$0x101B0] =	vst v61  }
0x98: {  	v0 =	vadd.f32 v13, v0;
	[tilespmem:$0x101C0] =	vst v62  }
0x99: {  	s16 =	sadd.s32 $0x1, s16;
	v2 =	vadd.f32 v60, v2;
	[tilespmem:$0x101D0] =	vst v63  }
0x9a: {  	p0 =	sne.s32 s16, s8;
	[tilespmem:$0x101F0] =	vst v0  }
.Ltmp4:
0x9b: {  	[tilespmem:$0x101E0] =	vst v2;
	(pc) =	sbr.rel @p0 .LBB2_1-.Ltmp4, $4  }
0x9c: {  	[hbm4b:s7+s2] =	stream.linear.scatter [tilespmem:s14], [sflag:$0x3], $0x200, $0x38;
	[tilespmem:$0x10200] =	vst v63  }
0x9d: {  	_ =	swait.ge [sflag:s15], $0x200  }
0x9e: {  	[sflag:s15] =	ssyncset.done $0x0  }
0x9f: {  	[sflag:s15] =	ssyncadd.s32 $0xFFFFFE00  }
0xa0: {  	_ =	sfence.sel $0x180000  }
0xa1: {  	[bflag:$0x0] =	sbarrier.arrive $0xFFFF  }
0xa2: {  	p0 =	sne.s32 s1, $0x0;
	_ =	strace $0x90000047  }
0xa3: {  	s0 =	sadd.s32 @!p0 $0x100000, s0;
	[bflag:$0x2] =	sbarrier.arrive $0xFFFF  }
0xa4: {  	[sflag:s0] =	ssyncadd.tile.s32 @!p0 $0x1;
	_ =	shalt  }
.Lfunc_end2:
_tile_overlayer_lowered:
.L_overlay_start_2:
0xa5: {  	(tag) =	ssettag $0x2  }
0xa6: {  	s0 =	rddreg [dreg:$0x0];
	s2 =	stileid.u32  }
0xa7: {  	s1 =	rddreg [dreg:$0x1];
	p0 =	sne.s32 s2, $0x0  }
0xa8: {  	s3 =	rddreg [dreg:$0x2];
	[bflag:$0x3] =	sbarrier.arrive $0xFFFF;
	s2 =	simm.s32 @!p0 $0x1C03  }
0xa9: {  	[timem:s3], [sflag:s2] =	dma.local @!p0 [hbm:s0], s1  }
0xaa: {  	s0 =	simm.s32 @!p0 $0x3  }
0xab: {  	_ =	swait.ge @!p0 [sflag:s0], s1  }
0xac: {  	s1 =	ssub.s32 @!p0 $0x0, s1;
	[sflag:s0] =	ssyncset.done @!p0 $0x0  }
0xad: {  	[sflag:s0] =	ssyncadd.s32 @!p0 s1  }
0xae: {  	[bflag:$0x3] =	sbarrier.arrive $0xFFFF  }
0xaf: {  	_ =	shalt  }

</sc_bundles>
